<compile_context>
chip_gen: v7x
topology: tpu7x:2x2x1
jax: 0.10.2.dev20260603
libtpu: 0.0.44.dev20260713+nightly
codegen_flags: <defaults>
</compile_context>

<pallas_src>
import jax
import jax.numpy as jnp
from jax import lax
from jax.experimental import pallas as pl
from jax.experimental.pallas import tpu as pltpu
from jax.experimental.pallas import tpu_sc as plsc

MAXV = 100000
D = 32
HW = 256
NIDX = 3 * HW
NC, NS = 2, 16
NW = NC * NS
B = 1024
IMGS_PER_W = B // NW


def _sc_body(in_hbm, table_hbm, out_hbm, idx_v, rows_v, out_v, gsems, osem):
    wid = lax.axis_index("s") * NC + lax.axis_index("c")
    iota = lax.iota(jnp.int32, 16)
    base = wid * IMGS_PER_W

    def stage(par, img):
        pltpu.sync_copy(in_hbm.at[pl.ds(img * NIDX, NIDX)], idx_v.at[par])
        for j in range(6):
            pltpu.async_copy(
                table_hbm.at[idx_v.at[par, pl.ds(j * 128, 128)]],
                rows_v.at[par, pl.ds(j * 128, 128)],
                gsems[par],
            )

    def wait_gathers(par):
        for j in range(6):
            pltpu.make_async_copy(
                table_hbm.at[idx_v.at[par, pl.ds(j * 128, 128)]],
                rows_v.at[par, pl.ds(j * 128, 128)],
                gsems[par],
            ).wait()

    stage(0, base)

    @pl.loop(0, IMGS_PER_W // 2)
    def _pair(kk):
        for par in range(2):
            k = kk * 2 + par
            img = base + k

            @pl.when(k + 1 < IMGS_PER_W)
            def _():
                stage(1 - par, img + 1)

            wait_gathers(par)

            @pl.when(k >= 2)
            def _():
                pltpu.make_async_copy(
                    out_v.at[par], out_hbm.at[img - 2], osem
                ).wait()

            @pl.loop(0, 512)
            def _acc(t):
                g = t >> 5
                d0 = t & 31
                pvec = g * 16 + iota
                dvec = (d0 + iota) & 31
                e = (
                    plsc.load_gather(rows_v.at[par], [pvec, dvec])
                    + plsc.load_gather(rows_v.at[par], [pvec + 256, dvec])
                    + plsc.load_gather(rows_v.at[par], [pvec + 512, dvec])
                )
                rowv = 2 * dvec + (g >> 3)
                colv = pvec & 127
                plsc.store_scatter(out_v.at[par], [rowv, colv], e)

            pltpu.async_copy(out_v.at[par], out_hbm.at[img], osem)

    for par in range(2):
        img = base + IMGS_PER_W - 2 + par
        pltpu.make_async_copy(
            out_v.at[par], out_hbm.at[img], osem
        ).wait()


REPACK_BLK = 128


def _repack_body(in_ref, out_ref):
    x = in_ref[...]
    y = x.reshape(NIDX, REPACK_BLK)
    z = jnp.transpose(y).reshape(REPACK_BLK * 6, 128)
    rr = jax.lax.broadcasted_iota(jnp.int32, (REPACK_BLK * 6, 128), 0)
    out_ref[...] = z + (rr % 6) // 2 * MAXV


def _repack(inputs_t):
    return pl.pallas_call(
        _repack_body,
        grid=(B // REPACK_BLK,),
        in_specs=[
            pl.BlockSpec((3, 16, 16, REPACK_BLK), lambda i: (0, 0, 0, i))
        ],
        out_specs=pl.BlockSpec((REPACK_BLK * 6, 128), lambda i: (i, 0)),
        out_shape=jax.ShapeDtypeStruct((B * 6, 128), jnp.int32),
    )(inputs_t)


@jax.jit
def _bow_embed(inputs, table):
    in1d = _repack(jnp.transpose(inputs, (1, 2, 3, 0))).reshape(B * NIDX)
    f = pl.kernel(
        _sc_body,
        out_type=jax.ShapeDtypeStruct((B, 64, 128), jnp.float32),
        mesh=plsc.VectorSubcoreMesh(core_axis_name="c", subcore_axis_name="s"),
        compiler_params=pltpu.CompilerParams(
            needs_layout_passes=False, use_tc_tiling_on_sc=False
        ),
        scratch_types=[
            pltpu.VMEM((2, NIDX), jnp.int32),
            pltpu.VMEM((2, NIDX, D), jnp.float32),
            pltpu.VMEM((2, 64, 128), jnp.float32),
            [pltpu.SemaphoreType.DMA, pltpu.SemaphoreType.DMA],
            pltpu.SemaphoreType.DMA,
        ],
    )
    return f(in1d, table)


def kernel(inputs, table):
    out = _bow_embed(inputs, table)
    return out.reshape(B, D, 16, 16)

# --- scband reference (transcript-rebuilt; emitter-appended) ---
"""Pipeline reference for scband-image-bowembedding-42786464203483 (READ-ONLY COPY).

The authoritative reference and input builder live on the scoring server;
editing this copy changes nothing except your own understanding.
"""

import jax, jax.numpy as jnp
import numpy as np

MAX_VALUE = 100000
EMBED_DIM = 32

def setup_inputs(seed: int = 0) -> dict:
    key = jax.random.key(seed)
    k1, k2 = jax.random.split(key)
    inputs = jax.random.randint(k1, (1024, 3, 16, 16), 0, MAX_VALUE, dtype=jnp.int32)
    table = jax.random.normal(k2, (3 * MAX_VALUE, EMBED_DIM), dtype=jnp.float32)
    return {"inputs": inputs, "table": table}


def reference(inputs, table):
    # offsets = [0, max_value, 2*max_value], broadcast over [B, 3, H, W]
    offsets = jnp.array([0, MAX_VALUE, 2 * MAX_VALUE], dtype=inputs.dtype)
    idx = inputs + offsets[None, :, None, None]            # [B, 3, H, W]
    emb = jnp.take(table, idx, axis=0)                     # [B, 3, H, W, D]
    out = emb.sum(axis=1)                                  # [B, H, W, D]
    return jnp.transpose(out, (0, 3, 1, 2))                # [B, D, H, W]

if __name__ == "__main__":
    import jax
    _d = setup_inputs()
    print(jax.jit(kernel)(*tuple(_d.values())))

</pallas_src>

<mosaic_0001>
#map = affine_map<(d0, d1) -> (0)>
#map1 = affine_map<(d0, d1) -> (0, 0)>
#map2 = affine_map<(d0, d1) -> (0, 0, 0)>
module attributes {stable_mosaic.version = 14 : i64} {
  func.func @_sc_body(%arg0: i32, %arg1: i32, %arg2: memref<786432xi32, #tpu.memory_space<hbm>>, %arg3: memref<300000x32xf32, #tpu.memory_space<hbm>>, %arg4: memref<1024x64x128xf32, #tpu.memory_space<hbm>>, %arg5: memref<2x768xi32, #tpu.memory_space<vmem>>, %arg6: memref<2x768x32xf32, #tpu.memory_space<vmem>>, %arg7: memref<2x64x128xf32, #tpu.memory_space<vmem>>, %arg8: memref<!tpu.dma_semaphore, #tpu.memory_space<semaphore_mem>>, %arg9: memref<!tpu.dma_semaphore, #tpu.memory_space<semaphore_mem>>, %arg10: memref<!tpu.dma_semaphore, #tpu.memory_space<semaphore_mem>>) attributes {dimension_semantics = [#tpu.dimension_semantics<core_parallel>, #tpu.dimension_semantics<subcore_parallel>], iteration_bounds = array<i64: 2, 16>, scalar_prefetch = 0 : i64, scratch_operands = 6 : i64, tpu.core_type = #tpu.core_type<sc_vector_subcore>, window_params = [{transform_indices = #map}, {transform_indices = #map1}, {transform_indices = #map2}]} {
    %mul3A = arith.constant 2 : i32
    %mul3A_0 = arith.muli %arg1, %mul3A : i32
    %add3A = arith.addi %mul3A_0, %arg0 : i32
    %iota3A = tpu.iota {dimensions = array<i32: 0>} : vector<16xi32>
    %mul3A_1 = arith.constant 32 : i32
    %mul3A_2 = arith.muli %add3A, %mul3A_1 : i32
    %mul3A_3 = arith.constant 768 : i32
    %mul3A_4 = arith.muli %mul3A_2, %mul3A_3 : i32
    %run_scoped3A = arith.constant 0 : i32
    "tpu.region"() ({
      %run_scoped3A_124 = tpu.sem_alloc : memref<!tpu.dma_semaphore, #tpu.memory_space<semaphore_mem>>
      %dma_start3A_125 = arith.constant 0 : i32
      %dma_start3A_126 = tpu.memref_slice %arg5[%run_scoped3A, %dma_start3A_125] : memref<2x768xi32, #tpu.memory_space<vmem>> -> memref<1x768xi32, #tpu.memory_space<vmem>>
      %dma_start3A_127 = tpu.memref_squeeze %dma_start3A_126 : memref<1x768xi32, #tpu.memory_space<vmem>> -> memref<768xi32, #tpu.memory_space<vmem>>
      %dma_start3A_128 = tpu.memref_slice %arg2[%mul3A_4] : memref<786432xi32, #tpu.memory_space<hbm>> -> memref<768xi32, #tpu.memory_space<hbm>>
      %dma_start3A_129 = arith.constant 0 : i32
      %dma_start3A_130 = tpu.memref_slice %arg5[%run_scoped3A, %dma_start3A_129] : memref<2x768xi32, #tpu.memory_space<vmem>> -> memref<1x768xi32, #tpu.memory_space<vmem>>
      %dma_start3A_131 = tpu.memref_squeeze %dma_start3A_130 : memref<1x768xi32, #tpu.memory_space<vmem>> -> memref<768xi32, #tpu.memory_space<vmem>>
      %dma_start3A_132 = tpu.memref_slice %arg2[%mul3A_4] : memref<786432xi32, #tpu.memory_space<hbm>> -> memref<768xi32, #tpu.memory_space<hbm>>
      tpu.enqueue_dma source(%dma_start3A_132 : memref<768xi32, #tpu.memory_space<hbm>>) target(%dma_start3A_131 : memref<768xi32, #tpu.memory_space<vmem>>) target_semaphore(%run_scoped3A_124 : memref<!tpu.dma_semaphore, #tpu.memory_space<semaphore_mem>>)
      %dma_wait3A_133 = arith.constant 0 : i32
      %dma_wait3A_134 = tpu.memref_slice %arg5[%run_scoped3A, %dma_wait3A_133] : memref<2x768xi32, #tpu.memory_space<vmem>> -> memref<1x768xi32, #tpu.memory_space<vmem>>
      %dma_wait3A_135 = tpu.memref_squeeze %dma_wait3A_134 : memref<1x768xi32, #tpu.memory_space<vmem>> -> memref<768xi32, #tpu.memory_space<vmem>>
      %dma_wait3A_136 = tpu.memref_slice %arg2[%mul3A_4] : memref<786432xi32, #tpu.memory_space<hbm>> -> memref<768xi32, #tpu.memory_space<hbm>>
      %dma_wait3A_137 = arith.constant 0 : i32
      %dma_wait3A_138 = tpu.memref_slice %arg5[%run_scoped3A, %dma_wait3A_137] : memref<2x768xi32, #tpu.memory_space<vmem>> -> memref<1x768xi32, #tpu.memory_space<vmem>>
      %dma_wait3A_139 = tpu.memref_squeeze %dma_wait3A_138 : memref<1x768xi32, #tpu.memory_space<vmem>> -> memref<768xi32, #tpu.memory_space<vmem>>
      %dma_wait3A_140 = tpu.memref_slice %arg2[%mul3A_4] : memref<786432xi32, #tpu.memory_space<hbm>> -> memref<768xi32, #tpu.memory_space<hbm>>
      tpu.wait_dma2 semaphore(%run_scoped3A_124 : memref<!tpu.dma_semaphore, #tpu.memory_space<semaphore_mem>>) src(%dma_wait3A_140 : memref<768xi32, #tpu.memory_space<hbm>>) dst(%dma_wait3A_139 : memref<768xi32, #tpu.memory_space<vmem>>)
      tpu.yield
    }) : () -> ()
    %dma_start3A = arith.constant 0 : i32
    %dma_start3A_5 = arith.constant 0 : i32
    %dma_start3A_6 = arith.constant 0 : i32
    %dma_start3A_7 = arith.constant 0 : i32
    %dma_start3A_8 = tpu.memref_slice %arg6[%dma_start3A_5, %dma_start3A_6, %dma_start3A_7] : memref<2x768x32xf32, #tpu.memory_space<vmem>> -> memref<1x128x32xf32, #tpu.memory_space<vmem>>
    %dma_start3A_9 = tpu.memref_squeeze %dma_start3A_8 : memref<1x128x32xf32, #tpu.memory_space<vmem>> -> memref<128x32xf32, #tpu.memory_space<vmem>>
    %dma_start3A_10 = arith.constant 0 : i32
    %dma_start3A_11 = tpu.memref_slice %arg5[%dma_start3A, %dma_start3A_10] : memref<2x768xi32, #tpu.memory_space<vmem>> -> memref<1x128xi32, #tpu.memory_space<vmem>>
    %dma_start3A_12 = tpu.memref_squeeze %dma_start3A_11 : memref<1x128xi32, #tpu.memory_space<vmem>> -> memref<128xi32, #tpu.memory_space<vmem>>
    %dma_start3A_13 = arith.constant 0 : i32
    %dma_start3A_14 = arith.constant 0 : i32
    %dma_start3A_15 = tpu.memref_slice %arg3[%dma_start3A_13, %dma_start3A_14] : memref<300000x32xf32, #tpu.memory_space<hbm>> -> memref<300000x32xf32, #tpu.memory_space<hbm>>
    tpu.enqueue_indirect_dma source(%dma_start3A_15 : memref<300000x32xf32, #tpu.memory_space<hbm>>) target(%dma_start3A_9 : memref<128x32xf32, #tpu.memory_space<vmem>>) offsets(%dma_start3A_12 : memref<128xi32, #tpu.memory_space<vmem>>) semaphore(%arg8 : memref<!tpu.dma_semaphore, #tpu.memory_space<semaphore_mem>>)
    %dma_start3A_16 = arith.constant 0 : i32
    %dma_start3A_17 = arith.constant 0 : i32
    %dma_start3A_18 = arith.constant 128 : i32
    %dma_start3A_19 = arith.constant 0 : i32
    %dma_start3A_20 = tpu.memref_slice %arg6[%dma_start3A_17, %dma_start3A_18, %dma_start3A_19] : memref<2x768x32xf32, #tpu.memory_space<vmem>> -> memref<1x128x32xf32, #tpu.memory_space<vmem>>
    %dma_start3A_21 = tpu.memref_squeeze %dma_start3A_20 : memref<1x128x32xf32, #tpu.memory_space<vmem>> -> memref<128x32xf32, #tpu.memory_space<vmem>>
    %dma_start3A_22 = arith.constant 128 : i32
    %dma_start3A_23 = tpu.memref_slice %arg5[%dma_start3A_16, %dma_start3A_22] : memref<2x768xi32, #tpu.memory_space<vmem>> -> memref<1x128xi32, #tpu.memory_space<vmem>>
    %dma_start3A_24 = tpu.memref_squeeze %dma_start3A_23 : memref<1x128xi32, #tpu.memory_space<vmem>> -> memref<128xi32, #tpu.memory_space<vmem>>
    %dma_start3A_25 = arith.constant 0 : i32
    %dma_start3A_26 = arith.constant 0 : i32
    %dma_start3A_27 = tpu.memref_slice %arg3[%dma_start3A_25, %dma_start3A_26] : memref<300000x32xf32, #tpu.memory_space<hbm>> -> memref<300000x32xf32, #tpu.memory_space<hbm>>
    tpu.enqueue_indirect_dma source(%dma_start3A_27 : memref<300000x32xf32, #tpu.memory_space<hbm>>) target(%dma_start3A_21 : memref<128x32xf32, #tpu.memory_space<vmem>>) offsets(%dma_start3A_24 : memref<128xi32, #tpu.memory_space<vmem>>) semaphore(%arg8 : memref<!tpu.dma_semaphore, #tpu.memory_space<semaphore_mem>>)
    %dma_start3A_28 = arith.constant 0 : i32
    %dma_start3A_29 = arith.constant 0 : i32
    %dma_start3A_30 = arith.constant 256 : i32
    %dma_start3A_31 = arith.constant 0 : i32
    %dma_start3A_32 = tpu.memref_slice %arg6[%dma_start3A_29, %dma_start3A_30, %dma_start3A_31] : memref<2x768x32xf32, #tpu.memory_space<vmem>> -> memref<1x128x32xf32, #tpu.memory_space<vmem>>
    %dma_start3A_33 = tpu.memref_squeeze %dma_start3A_32 : memref<1x128x32xf32, #tpu.memory_space<vmem>> -> memref<128x32xf32, #tpu.memory_space<vmem>>
    %dma_start3A_34 = arith.constant 256 : i32
    %dma_start3A_35 = tpu.memref_slice %arg5[%dma_start3A_28, %dma_start3A_34] : memref<2x768xi32, #tpu.memory_space<vmem>> -> memref<1x128xi32, #tpu.memory_space<vmem>>
    %dma_start3A_36 = tpu.memref_squeeze %dma_start3A_35 : memref<1x128xi32, #tpu.memory_space<vmem>> -> memref<128xi32, #tpu.memory_space<vmem>>
    %dma_start3A_37 = arith.constant 0 : i32
    %dma_start3A_38 = arith.constant 0 : i32
    %dma_start3A_39 = tpu.memref_slice %arg3[%dma_start3A_37, %dma_start3A_38] : memref<300000x32xf32, #tpu.memory_space<hbm>> -> memref<300000x32xf32, #tpu.memory_space<hbm>>
    tpu.enqueue_indirect_dma source(%dma_start3A_39 : memref<300000x32xf32, #tpu.memory_space<hbm>>) target(%dma_start3A_33 : memref<128x32xf32, #tpu.memory_space<vmem>>) offsets(%dma_start3A_36 : memref<128xi32, #tpu.memory_space<vmem>>) semaphore(%arg8 : memref<!tpu.dma_semaphore, #tpu.memory_space<semaphore_mem>>)
    %dma_start3A_40 = arith.constant 0 : i32
    %dma_start3A_41 = arith.constant 0 : i32
    %dma_start3A_42 = arith.constant 384 : i32
    %dma_start3A_43 = arith.constant 0 : i32
    %dma_start3A_44 = tpu.memref_slice %arg6[%dma_start3A_41, %dma_start3A_42, %dma_start3A_43] : memref<2x768x32xf32, #tpu.memory_space<vmem>> -> memref<1x128x32xf32, #tpu.memory_space<vmem>>
    %dma_start3A_45 = tpu.memref_squeeze %dma_start3A_44 : memref<1x128x32xf32, #tpu.memory_space<vmem>> -> memref<128x32xf32, #tpu.memory_space<vmem>>
    %dma_start3A_46 = arith.constant 384 : i32
    %dma_start3A_47 = tpu.memref_slice %arg5[%dma_start3A_40, %dma_start3A_46] : memref<2x768xi32, #tpu.memory_space<vmem>> -> memref<1x128xi32, #tpu.memory_space<vmem>>
    %dma_start3A_48 = tpu.memref_squeeze %dma_start3A_47 : memref<1x128xi32, #tpu.memory_space<vmem>> -> memref<128xi32, #tpu.memory_space<vmem>>
    %dma_start3A_49 = arith.constant 0 : i32
    %dma_start3A_50 = arith.constant 0 : i32
    %dma_start3A_51 = tpu.memref_slice %arg3[%dma_start3A_49, %dma_start3A_50] : memref<300000x32xf32, #tpu.memory_space<hbm>> -> memref<300000x32xf32, #tpu.memory_space<hbm>>
    tpu.enqueue_indirect_dma source(%dma_start3A_51 : memref<300000x32xf32, #tpu.memory_space<hbm>>) target(%dma_start3A_45 : memref<128x32xf32, #tpu.memory_space<vmem>>) offsets(%dma_start3A_48 : memref<128xi32, #tpu.memory_space<vmem>>) semaphore(%arg8 : memref<!tpu.dma_semaphore, #tpu.memory_space<semaphore_mem>>)
    %dma_start3A_52 = arith.constant 0 : i32
    %dma_start3A_53 = arith.constant 0 : i32
    %dma_start3A_54 = arith.constant 512 : i32
    %dma_start3A_55 = arith.constant 0 : i32
    %dma_start3A_56 = tpu.memref_slice %arg6[%dma_start3A_53, %dma_start3A_54, %dma_start3A_55] : memref<2x768x32xf32, #tpu.memory_space<vmem>> -> memref<1x128x32xf32, #tpu.memory_space<vmem>>
    %dma_start3A_57 = tpu.memref_squeeze %dma_start3A_56 : memref<1x128x32xf32, #tpu.memory_space<vmem>> -> memref<128x32xf32, #tpu.memory_space<vmem>>
    %dma_start3A_58 = arith.constant 512 : i32
    %dma_start3A_59 = tpu.memref_slice %arg5[%dma_start3A_52, %dma_start3A_58] : memref<2x768xi32, #tpu.memory_space<vmem>> -> memref<1x128xi32, #tpu.memory_space<vmem>>
    %dma_start3A_60 = tpu.memref_squeeze %dma_start3A_59 : memref<1x128xi32, #tpu.memory_space<vmem>> -> memref<128xi32, #tpu.memory_space<vmem>>
    %dma_start3A_61 = arith.constant 0 : i32
    %dma_start3A_62 = arith.constant 0 : i32
    %dma_start3A_63 = tpu.memref_slice %arg3[%dma_start3A_61, %dma_start3A_62] : memref<300000x32xf32, #tpu.memory_space<hbm>> -> memref<300000x32xf32, #tpu.memory_space<hbm>>
    tpu.enqueue_indirect_dma source(%dma_start3A_63 : memref<300000x32xf32, #tpu.memory_space<hbm>>) target(%dma_start3A_57 : memref<128x32xf32, #tpu.memory_space<vmem>>) offsets(%dma_start3A_60 : memref<128xi32, #tpu.memory_space<vmem>>) semaphore(%arg8 : memref<!tpu.dma_semaphore, #tpu.memory_space<semaphore_mem>>)
    %dma_start3A_64 = arith.constant 0 : i32
    %dma_start3A_65 = arith.constant 0 : i32
    %dma_start3A_66 = arith.constant 640 : i32
    %dma_start3A_67 = arith.constant 0 : i32
    %dma_start3A_68 = tpu.memref_slice %arg6[%dma_start3A_65, %dma_start3A_66, %dma_start3A_67] : memref<2x768x32xf32, #tpu.memory_space<vmem>> -> memref<1x128x32xf32, #tpu.memory_space<vmem>>
    %dma_start3A_69 = tpu.memref_squeeze %dma_start3A_68 : memref<1x128x32xf32, #tpu.memory_space<vmem>> -> memref<128x32xf32, #tpu.memory_space<vmem>>
    %dma_start3A_70 = arith.constant 640 : i32
    %dma_start3A_71 = tpu.memref_slice %arg5[%dma_start3A_64, %dma_start3A_70] : memref<2x768xi32, #tpu.memory_space<vmem>> -> memref<1x128xi32, #tpu.memory_space<vmem>>
    %dma_start3A_72 = tpu.memref_squeeze %dma_start3A_71 : memref<1x128xi32, #tpu.memory_space<vmem>> -> memref<128xi32, #tpu.memory_space<vmem>>
    %dma_start3A_73 = arith.constant 0 : i32
    %dma_start3A_74 = arith.constant 0 : i32
    %dma_start3A_75 = tpu.memref_slice %arg3[%dma_start3A_73, %dma_start3A_74] : memref<300000x32xf32, #tpu.memory_space<hbm>> -> memref<300000x32xf32, #tpu.memory_space<hbm>>
    tpu.enqueue_indirect_dma source(%dma_start3A_75 : memref<300000x32xf32, #tpu.memory_space<hbm>>) target(%dma_start3A_69 : memref<128x32xf32, #tpu.memory_space<vmem>>) offsets(%dma_start3A_72 : memref<128xi32, #tpu.memory_space<vmem>>) semaphore(%arg8 : memref<!tpu.dma_semaphore, #tpu.memory_space<semaphore_mem>>)
    %scan3A = arith.constant 0 : i32
    %scan3A_76 = arith.constant 16 : i32
    %scan3A_77 = arith.addi %scan3A, %scan3A_76 : i32
    %scan3A_78 = arith.constant 1 : i32
    scf.for %scan3A_124 = %scan3A to %scan3A_77 step %scan3A_78  : i32 {
      %mul3A_125 = arith.constant 1 : i32
      %mul3A_126 = arith.muli %scan3A_124, %mul3A_125 : i32
      %add3A_127 = arith.constant 0 : i32
      %add3A_128 = arith.addi %add3A_127, %mul3A_126 : i32
      %mul3A_129 = arith.constant 2 : i32
      %mul3A_130 = arith.muli %add3A_128, %mul3A_129 : i32
      %add3A_131 = arith.constant 0 : i32
      %add3A_132 = arith.addi %mul3A_130, %add3A_131 : i32
      %add3A_133 = arith.addi %mul3A_2, %add3A_132 : i32
      %add3A_134 = arith.constant 1 : i32
      %add3A_135 = arith.addi %add3A_132, %add3A_134 : i32
      %lt3A = arith.constant 32 : i32
      %lt3A_136 = arith.cmpi slt, %add3A_135, %lt3A : i32
      %convert_element_type3A = arith.extui %lt3A_136 : i1 to i32
      %cond3A = arith.constant 0 : i32
      %cond3A_137 = arith.cmpi ne, %convert_element_type3A, %cond3A : i32
      scf.if %cond3A_137 {
        %add3A_347 = arith.constant 1 : i32
        %add3A_348 = arith.addi %add3A_133, %add3A_347 : i32
        %mul3A_349 = arith.constant 768 : i32
        %mul3A_350 = arith.muli %add3A_348, %mul3A_349 : i32
        %run_scoped3A_351 = arith.constant 1 : i32
        "tpu.region"() ({
          %run_scoped3A_424 = tpu.sem_alloc : memref<!tpu.dma_semaphore, #tpu.memory_space<semaphore_mem>>
          %dma_start3A_425 = arith.constant 0 : i32
          %dma_start3A_426 = tpu.memref_slice %arg5[%run_scoped3A_351, %dma_start3A_425] : memref<2x768xi32, #tpu.memory_space<vmem>> -> memref<1x768xi32, #tpu.memory_space<vmem>>
          %dma_start3A_427 = tpu.memref_squeeze %dma_start3A_426 : memref<1x768xi32, #tpu.memory_space<vmem>> -> memref<768xi32, #tpu.memory_space<vmem>>
          %dma_start3A_428 = tpu.memref_slice %arg2[%mul3A_350] : memref<786432xi32, #tpu.memory_space<hbm>> -> memref<768xi32, #tpu.memory_space<hbm>>
          %dma_start3A_429 = arith.constant 0 : i32
          %dma_start3A_430 = tpu.memref_slice %arg5[%run_scoped3A_351, %dma_start3A_429] : memref<2x768xi32, #tpu.memory_space<vmem>> -> memref<1x768xi32, #tpu.memory_space<vmem>>
          %dma_start3A_431 = tpu.memref_squeeze %dma_start3A_430 : memref<1x768xi32, #tpu.memory_space<vmem>> -> memref<768xi32, #tpu.memory_space<vmem>>
          %dma_start3A_432 = tpu.memref_slice %arg2[%mul3A_350] : memref<786432xi32, #tpu.memory_space<hbm>> -> memref<768xi32, #tpu.memory_space<hbm>>
          tpu.enqueue_dma source(%dma_start3A_432 : memref<768xi32, #tpu.memory_space<hbm>>) target(%dma_start3A_431 : memref<768xi32, #tpu.memory_space<vmem>>) target_semaphore(%run_scoped3A_424 : memref<!tpu.dma_semaphore, #tpu.memory_space<semaphore_mem>>)
          %dma_wait3A_433 = arith.constant 0 : i32
          %dma_wait3A_434 = tpu.memref_slice %arg5[%run_scoped3A_351, %dma_wait3A_433] : memref<2x768xi32, #tpu.memory_space<vmem>> -> memref<1x768xi32, #tpu.memory_space<vmem>>
          %dma_wait3A_435 = tpu.memref_squeeze %dma_wait3A_434 : memref<1x768xi32, #tpu.memory_space<vmem>> -> memref<768xi32, #tpu.memory_space<vmem>>
          %dma_wait3A_436 = tpu.memref_slice %arg2[%mul3A_350] : memref<786432xi32, #tpu.memory_space<hbm>> -> memref<768xi32, #tpu.memory_space<hbm>>
          %dma_wait3A_437 = arith.constant 0 : i32
          %dma_wait3A_438 = tpu.memref_slice %arg5[%run_scoped3A_351, %dma_wait3A_437] : memref<2x768xi32, #tpu.memory_space<vmem>> -> memref<1x768xi32, #tpu.memory_space<vmem>>
          %dma_wait3A_439 = tpu.memref_squeeze %dma_wait3A_438 : memref<1x768xi32, #tpu.memory_space<vmem>> -> memref<768xi32, #tpu.memory_space<vmem>>
          %dma_wait3A_440 = tpu.memref_slice %arg2[%mul3A_350] : memref<786432xi32, #tpu.memory_space<hbm>> -> memref<768xi32, #tpu.memory_space<hbm>>
          tpu.wait_dma2 semaphore(%run_scoped3A_424 : memref<!tpu.dma_semaphore, #tpu.memory_space<semaphore_mem>>) src(%dma_wait3A_440 : memref<768xi32, #tpu.memory_space<hbm>>) dst(%dma_wait3A_439 : memref<768xi32, #tpu.memory_space<vmem>>)
          tpu.yield
        }) : () -> ()
        %dma_start3A_352 = arith.constant 1 : i32
        %dma_start3A_353 = arith.constant 1 : i32
        %dma_start3A_354 = arith.constant 0 : i32
        %dma_start3A_355 = arith.constant 0 : i32
        %dma_start3A_356 = tpu.memref_slice %arg6[%dma_start3A_353, %dma_start3A_354, %dma_start3A_355] : memref<2x768x32xf32, #tpu.memory_space<vmem>> -> memref<1x128x32xf32, #tpu.memory_space<vmem>>
        %dma_start3A_357 = tpu.memref_squeeze %dma_start3A_356 : memref<1x128x32xf32, #tpu.memory_space<vmem>> -> memref<128x32xf32, #tpu.memory_space<vmem>>
        %dma_start3A_358 = arith.constant 0 : i32
        %dma_start3A_359 = tpu.memref_slice %arg5[%dma_start3A_352, %dma_start3A_358] : memref<2x768xi32, #tpu.memory_space<vmem>> -> memref<1x128xi32, #tpu.memory_space<vmem>>
        %dma_start3A_360 = tpu.memref_squeeze %dma_start3A_359 : memref<1x128xi32, #tpu.memory_space<vmem>> -> memref<128xi32, #tpu.memory_space<vmem>>
        %dma_start3A_361 = arith.constant 0 : i32
        %dma_start3A_362 = arith.constant 0 : i32
        %dma_start3A_363 = tpu.memref_slice %arg3[%dma_start3A_361, %dma_start3A_362] : memref<300000x32xf32, #tpu.memory_space<hbm>> -> memref<300000x32xf32, #tpu.memory_space<hbm>>
        tpu.enqueue_indirect_dma source(%dma_start3A_363 : memref<300000x32xf32, #tpu.memory_space<hbm>>) target(%dma_start3A_357 : memref<128x32xf32, #tpu.memory_space<vmem>>) offsets(%dma_start3A_360 : memref<128xi32, #tpu.memory_space<vmem>>) semaphore(%arg9 : memref<!tpu.dma_semaphore, #tpu.memory_space<semaphore_mem>>)
        %dma_start3A_364 = arith.constant 1 : i32
        %dma_start3A_365 = arith.constant 1 : i32
        %dma_start3A_366 = arith.constant 128 : i32
        %dma_start3A_367 = arith.constant 0 : i32
        %dma_start3A_368 = tpu.memref_slice %arg6[%dma_start3A_365, %dma_start3A_366, %dma_start3A_367] : memref<2x768x32xf32, #tpu.memory_space<vmem>> -> memref<1x128x32xf32, #tpu.memory_space<vmem>>
        %dma_start3A_369 = tpu.memref_squeeze %dma_start3A_368 : memref<1x128x32xf32, #tpu.memory_space<vmem>> -> memref<128x32xf32, #tpu.memory_space<vmem>>
        %dma_start3A_370 = arith.constant 128 : i32
        %dma_start3A_371 = tpu.memref_slice %arg5[%dma_start3A_364, %dma_start3A_370] : memref<2x768xi32, #tpu.memory_space<vmem>> -> memref<1x128xi32, #tpu.memory_space<vmem>>
        %dma_start3A_372 = tpu.memref_squeeze %dma_start3A_371 : memref<1x128xi32, #tpu.memory_space<vmem>> -> memref<128xi32, #tpu.memory_space<vmem>>
        %dma_start3A_373 = arith.constant 0 : i32
        %dma_start3A_374 = arith.constant 0 : i32
        %dma_start3A_375 = tpu.memref_slice %arg3[%dma_start3A_373, %dma_start3A_374] : memref<300000x32xf32, #tpu.memory_space<hbm>> -> memref<300000x32xf32, #tpu.memory_space<hbm>>
        tpu.enqueue_indirect_dma source(%dma_start3A_375 : memref<300000x32xf32, #tpu.memory_space<hbm>>) target(%dma_start3A_369 : memref<128x32xf32, #tpu.memory_space<vmem>>) offsets(%dma_start3A_372 : memref<128xi32, #tpu.memory_space<vmem>>) semaphore(%arg9 : memref<!tpu.dma_semaphore, #tpu.memory_space<semaphore_mem>>)
        %dma_start3A_376 = arith.constant 1 : i32
        %dma_start3A_377 = arith.constant 1 : i32
        %dma_start3A_378 = arith.constant 256 : i32
        %dma_start3A_379 = arith.constant 0 : i32
        %dma_start3A_380 = tpu.memref_slice %arg6[%dma_start3A_377, %dma_start3A_378, %dma_start3A_379] : memref<2x768x32xf32, #tpu.memory_space<vmem>> -> memref<1x128x32xf32, #tpu.memory_space<vmem>>
        %dma_start3A_381 = tpu.memref_squeeze %dma_start3A_380 : memref<1x128x32xf32, #tpu.memory_space<vmem>> -> memref<128x32xf32, #tpu.memory_space<vmem>>
        %dma_start3A_382 = arith.constant 256 : i32
        %dma_start3A_383 = tpu.memref_slice %arg5[%dma_start3A_376, %dma_start3A_382] : memref<2x768xi32, #tpu.memory_space<vmem>> -> memref<1x128xi32, #tpu.memory_space<vmem>>
        %dma_start3A_384 = tpu.memref_squeeze %dma_start3A_383 : memref<1x128xi32, #tpu.memory_space<vmem>> -> memref<128xi32, #tpu.memory_space<vmem>>
        %dma_start3A_385 = arith.constant 0 : i32
        %dma_start3A_386 = arith.constant 0 : i32
        %dma_start3A_387 = tpu.memref_slice %arg3[%dma_start3A_385, %dma_start3A_386] : memref<300000x32xf32, #tpu.memory_space<hbm>> -> memref<300000x32xf32, #tpu.memory_space<hbm>>
        tpu.enqueue_indirect_dma source(%dma_start3A_387 : memref<300000x32xf32, #tpu.memory_space<hbm>>) target(%dma_start3A_381 : memref<128x32xf32, #tpu.memory_space<vmem>>) offsets(%dma_start3A_384 : memref<128xi32, #tpu.memory_space<vmem>>) semaphore(%arg9 : memref<!tpu.dma_semaphore, #tpu.memory_space<semaphore_mem>>)
        %dma_start3A_388 = arith.constant 1 : i32
        %dma_start3A_389 = arith.constant 1 : i32
        %dma_start3A_390 = arith.constant 384 : i32
        %dma_start3A_391 = arith.constant 0 : i32
        %dma_start3A_392 = tpu.memref_slice %arg6[%dma_start3A_389, %dma_start3A_390, %dma_start3A_391] : memref<2x768x32xf32, #tpu.memory_space<vmem>> -> memref<1x128x32xf32, #tpu.memory_space<vmem>>
        %dma_start3A_393 = tpu.memref_squeeze %dma_start3A_392 : memref<1x128x32xf32, #tpu.memory_space<vmem>> -> memref<128x32xf32, #tpu.memory_space<vmem>>
        %dma_start3A_394 = arith.constant 384 : i32
        %dma_start3A_395 = tpu.memref_slice %arg5[%dma_start3A_388, %dma_start3A_394] : memref<2x768xi32, #tpu.memory_space<vmem>> -> memref<1x128xi32, #tpu.memory_space<vmem>>
        %dma_start3A_396 = tpu.memref_squeeze %dma_start3A_395 : memref<1x128xi32, #tpu.memory_space<vmem>> -> memref<128xi32, #tpu.memory_space<vmem>>
        %dma_start3A_397 = arith.constant 0 : i32
        %dma_start3A_398 = arith.constant 0 : i32
        %dma_start3A_399 = tpu.memref_slice %arg3[%dma_start3A_397, %dma_start3A_398] : memref<300000x32xf32, #tpu.memory_space<hbm>> -> memref<300000x32xf32, #tpu.memory_space<hbm>>
        tpu.enqueue_indirect_dma source(%dma_start3A_399 : memref<300000x32xf32, #tpu.memory_space<hbm>>) target(%dma_start3A_393 : memref<128x32xf32, #tpu.memory_space<vmem>>) offsets(%dma_start3A_396 : memref<128xi32, #tpu.memory_space<vmem>>) semaphore(%arg9 : memref<!tpu.dma_semaphore, #tpu.memory_space<semaphore_mem>>)
        %dma_start3A_400 = arith.constant 1 : i32
        %dma_start3A_401 = arith.constant 1 : i32
        %dma_start3A_402 = arith.constant 512 : i32
        %dma_start3A_403 = arith.constant 0 : i32
        %dma_start3A_404 = tpu.memref_slice %arg6[%dma_start3A_401, %dma_start3A_402, %dma_start3A_403] : memref<2x768x32xf32, #tpu.memory_space<vmem>> -> memref<1x128x32xf32, #tpu.memory_space<vmem>>
        %dma_start3A_405 = tpu.memref_squeeze %dma_start3A_404 : memref<1x128x32xf32, #tpu.memory_space<vmem>> -> memref<128x32xf32, #tpu.memory_space<vmem>>
        %dma_start3A_406 = arith.constant 512 : i32
        %dma_start3A_407 = tpu.memref_slice %arg5[%dma_start3A_400, %dma_start3A_406] : memref<2x768xi32, #tpu.memory_space<vmem>> -> memref<1x128xi32, #tpu.memory_space<vmem>>
        %dma_start3A_408 = tpu.memref_squeeze %dma_start3A_407 : memref<1x128xi32, #tpu.memory_space<vmem>> -> memref<128xi32, #tpu.memory_space<vmem>>
        %dma_start3A_409 = arith.constant 0 : i32
        %dma_start3A_410 = arith.constant 0 : i32
        %dma_start3A_411 = tpu.memref_slice %arg3[%dma_start3A_409, %dma_start3A_410] : memref<300000x32xf32, #tpu.memory_space<hbm>> -> memref<300000x32xf32, #tpu.memory_space<hbm>>
        tpu.enqueue_indirect_dma source(%dma_start3A_411 : memref<300000x32xf32, #tpu.memory_space<hbm>>) target(%dma_start3A_405 : memref<128x32xf32, #tpu.memory_space<vmem>>) offsets(%dma_start3A_408 : memref<128xi32, #tpu.memory_space<vmem>>) semaphore(%arg9 : memref<!tpu.dma_semaphore, #tpu.memory_space<semaphore_mem>>)
        %dma_start3A_412 = arith.constant 1 : i32
        %dma_start3A_413 = arith.constant 1 : i32
        %dma_start3A_414 = arith.constant 640 : i32
        %dma_start3A_415 = arith.constant 0 : i32
        %dma_start3A_416 = tpu.memref_slice %arg6[%dma_start3A_413, %dma_start3A_414, %dma_start3A_415] : memref<2x768x32xf32, #tpu.memory_space<vmem>> -> memref<1x128x32xf32, #tpu.memory_space<vmem>>
        %dma_start3A_417 = tpu.memref_squeeze %dma_start3A_416 : memref<1x128x32xf32, #tpu.memory_space<vmem>> -> memref<128x32xf32, #tpu.memory_space<vmem>>
        %dma_start3A_418 = arith.constant 640 : i32
        %dma_start3A_419 = tpu.memref_slice %arg5[%dma_start3A_412, %dma_start3A_418] : memref<2x768xi32, #tpu.memory_space<vmem>> -> memref<1x128xi32, #tpu.memory_space<vmem>>
        %dma_start3A_420 = tpu.memref_squeeze %dma_start3A_419 : memref<1x128xi32, #tpu.memory_space<vmem>> -> memref<128xi32, #tpu.memory_space<vmem>>
        %dma_start3A_421 = arith.constant 0 : i32
        %dma_start3A_422 = arith.constant 0 : i32
        %dma_start3A_423 = tpu.memref_slice %arg3[%dma_start3A_421, %dma_start3A_422] : memref<300000x32xf32, #tpu.memory_space<hbm>> -> memref<300000x32xf32, #tpu.memory_space<hbm>>
        tpu.enqueue_indirect_dma source(%dma_start3A_423 : memref<300000x32xf32, #tpu.memory_space<hbm>>) target(%dma_start3A_417 : memref<128x32xf32, #tpu.memory_space<vmem>>) offsets(%dma_start3A_420 : memref<128xi32, #tpu.memory_space<vmem>>) semaphore(%arg9 : memref<!tpu.dma_semaphore, #tpu.memory_space<semaphore_mem>>)
      } else {
      }
      %dma_wait3A_138 = arith.constant 0 : i32
      %dma_wait3A_139 = arith.constant 0 : i32
      %dma_wait3A_140 = arith.constant 0 : i32
      %dma_wait3A_141 = arith.constant 0 : i32
      %dma_wait3A_142 = tpu.memref_slice %arg6[%dma_wait3A_139, %dma_wait3A_140, %dma_wait3A_141] : memref<2x768x32xf32, #tpu.memory_space<vmem>> -> memref<1x128x32xf32, #tpu.memory_space<vmem>>
      %dma_wait3A_143 = tpu.memref_squeeze %dma_wait3A_142 : memref<1x128x32xf32, #tpu.memory_space<vmem>> -> memref<128x32xf32, #tpu.memory_space<vmem>>
      %dma_wait3A_144 = arith.constant 0 : i32
      %dma_wait3A_145 = tpu.memref_slice %arg5[%dma_wait3A_138, %dma_wait3A_144] : memref<2x768xi32, #tpu.memory_space<vmem>> -> memref<1x128xi32, #tpu.memory_space<vmem>>
      %dma_wait3A_146 = tpu.memref_squeeze %dma_wait3A_145 : memref<1x128xi32, #tpu.memory_space<vmem>> -> memref<128xi32, #tpu.memory_space<vmem>>
      %dma_wait3A_147 = arith.constant 0 : i32
      %dma_wait3A_148 = arith.constant 0 : i32
      %dma_wait3A_149 = tpu.memref_slice %arg3[%dma_wait3A_147, %dma_wait3A_148] : memref<300000x32xf32, #tpu.memory_space<hbm>> -> memref<300000x32xf32, #tpu.memory_space<hbm>>
      tpu.wait_indirect_dma semaphore(%arg8 : memref<!tpu.dma_semaphore, #tpu.memory_space<semaphore_mem>>) src(%dma_wait3A_149 : memref<300000x32xf32, #tpu.memory_space<hbm>>) dst(%dma_wait3A_143 : memref<128x32xf32, #tpu.memory_space<vmem>>)
      %dma_wait3A_150 = arith.constant 0 : i32
      %dma_wait3A_151 = arith.constant 0 : i32
      %dma_wait3A_152 = arith.constant 128 : i32
      %dma_wait3A_153 = arith.constant 0 : i32
      %dma_wait3A_154 = tpu.memref_slice %arg6[%dma_wait3A_151, %dma_wait3A_152, %dma_wait3A_153] : memref<2x768x32xf32, #tpu.memory_space<vmem>> -> memref<1x128x32xf32, #tpu.memory_space<vmem>>
      %dma_wait3A_155 = tpu.memref_squeeze %dma_wait3A_154 : memref<1x128x32xf32, #tpu.memory_space<vmem>> -> memref<128x32xf32, #tpu.memory_space<vmem>>
      %dma_wait3A_156 = arith.constant 128 : i32
      %dma_wait3A_157 = tpu.memref_slice %arg5[%dma_wait3A_150, %dma_wait3A_156] : memref<2x768xi32, #tpu.memory_space<vmem>> -> memref<1x128xi32, #tpu.memory_space<vmem>>
      %dma_wait3A_158 = tpu.memref_squeeze %dma_wait3A_157 : memref<1x128xi32, #tpu.memory_space<vmem>> -> memref<128xi32, #tpu.memory_space<vmem>>
      %dma_wait3A_159 = arith.constant 0 : i32
      %dma_wait3A_160 = arith.constant 0 : i32
      %dma_wait3A_161 = tpu.memref_slice %arg3[%dma_wait3A_159, %dma_wait3A_160] : memref<300000x32xf32, #tpu.memory_space<hbm>> -> memref<300000x32xf32, #tpu.memory_space<hbm>>
      tpu.wait_indirect_dma semaphore(%arg8 : memref<!tpu.dma_semaphore, #tpu.memory_space<semaphore_mem>>) src(%dma_wait3A_161 : memref<300000x32xf32, #tpu.memory_space<hbm>>) dst(%dma_wait3A_155 : memref<128x32xf32, #tpu.memory_space<vmem>>)
      %dma_wait3A_162 = arith.constant 0 : i32
      %dma_wait3A_163 = arith.constant 0 : i32
      %dma_wait3A_164 = arith.constant 256 : i32
      %dma_wait3A_165 = arith.constant 0 : i32
      %dma_wait3A_166 = tpu.memref_slice %arg6[%dma_wait3A_163, %dma_wait3A_164, %dma_wait3A_165] : memref<2x768x32xf32, #tpu.memory_space<vmem>> -> memref<1x128x32xf32, #tpu.memory_space<vmem>>
      %dma_wait3A_167 = tpu.memref_squeeze %dma_wait3A_166 : memref<1x128x32xf32, #tpu.memory_space<vmem>> -> memref<128x32xf32, #tpu.memory_space<vmem>>
      %dma_wait3A_168 = arith.constant 256 : i32
      %dma_wait3A_169 = tpu.memref_slice %arg5[%dma_wait3A_162, %dma_wait3A_168] : memref<2x768xi32, #tpu.memory_space<vmem>> -> memref<1x128xi32, #tpu.memory_space<vmem>>
      %dma_wait3A_170 = tpu.memref_squeeze %dma_wait3A_169 : memref<1x128xi32, #tpu.memory_space<vmem>> -> memref<128xi32, #tpu.memory_space<vmem>>
      %dma_wait3A_171 = arith.constant 0 : i32
      %dma_wait3A_172 = arith.constant 0 : i32
      %dma_wait3A_173 = tpu.memref_slice %arg3[%dma_wait3A_171, %dma_wait3A_172] : memref<300000x32xf32, #tpu.memory_space<hbm>> -> memref<300000x32xf32, #tpu.memory_space<hbm>>
      tpu.wait_indirect_dma semaphore(%arg8 : memref<!tpu.dma_semaphore, #tpu.memory_space<semaphore_mem>>) src(%dma_wait3A_173 : memref<300000x32xf32, #tpu.memory_space<hbm>>) dst(%dma_wait3A_167 : memref<128x32xf32, #tpu.memory_space<vmem>>)
      %dma_wait3A_174 = arith.constant 0 : i32
      %dma_wait3A_175 = arith.constant 0 : i32
      %dma_wait3A_176 = arith.constant 384 : i32
      %dma_wait3A_177 = arith.constant 0 : i32
      %dma_wait3A_178 = tpu.memref_slice %arg6[%dma_wait3A_175, %dma_wait3A_176, %dma_wait3A_177] : memref<2x768x32xf32, #tpu.memory_space<vmem>> -> memref<1x128x32xf32, #tpu.memory_space<vmem>>
      %dma_wait3A_179 = tpu.memref_squeeze %dma_wait3A_178 : memref<1x128x32xf32, #tpu.memory_space<vmem>> -> memref<128x32xf32, #tpu.memory_space<vmem>>
      %dma_wait3A_180 = arith.constant 384 : i32
      %dma_wait3A_181 = tpu.memref_slice %arg5[%dma_wait3A_174, %dma_wait3A_180] : memref<2x768xi32, #tpu.memory_space<vmem>> -> memref<1x128xi32, #tpu.memory_space<vmem>>
      %dma_wait3A_182 = tpu.memref_squeeze %dma_wait3A_181 : memref<1x128xi32, #tpu.memory_space<vmem>> -> memref<128xi32, #tpu.memory_space<vmem>>
      %dma_wait3A_183 = arith.constant 0 : i32
      %dma_wait3A_184 = arith.constant 0 : i32
      %dma_wait3A_185 = tpu.memref_slice %arg3[%dma_wait3A_183, %dma_wait3A_184] : memref<300000x32xf32, #tpu.memory_space<hbm>> -> memref<300000x32xf32, #tpu.memory_space<hbm>>
      tpu.wait_indirect_dma semaphore(%arg8 : memref<!tpu.dma_semaphore, #tpu.memory_space<semaphore_mem>>) src(%dma_wait3A_185 : memref<300000x32xf32, #tpu.memory_space<hbm>>) dst(%dma_wait3A_179 : memref<128x32xf32, #tpu.memory_space<vmem>>)
      %dma_wait3A_186 = arith.constant 0 : i32
      %dma_wait3A_187 = arith.constant 0 : i32
      %dma_wait3A_188 = arith.constant 512 : i32
      %dma_wait3A_189 = arith.constant 0 : i32
      %dma_wait3A_190 = tpu.memref_slice %arg6[%dma_wait3A_187, %dma_wait3A_188, %dma_wait3A_189] : memref<2x768x32xf32, #tpu.memory_space<vmem>> -> memref<1x128x32xf32, #tpu.memory_space<vmem>>
      %dma_wait3A_191 = tpu.memref_squeeze %dma_wait3A_190 : memref<1x128x32xf32, #tpu.memory_space<vmem>> -> memref<128x32xf32, #tpu.memory_space<vmem>>
      %dma_wait3A_192 = arith.constant 512 : i32
      %dma_wait3A_193 = tpu.memref_slice %arg5[%dma_wait3A_186, %dma_wait3A_192] : memref<2x768xi32, #tpu.memory_space<vmem>> -> memref<1x128xi32, #tpu.memory_space<vmem>>
      %dma_wait3A_194 = tpu.memref_squeeze %dma_wait3A_193 : memref<1x128xi32, #tpu.memory_space<vmem>> -> memref<128xi32, #tpu.memory_space<vmem>>
      %dma_wait3A_195 = arith.constant 0 : i32
      %dma_wait3A_196 = arith.constant 0 : i32
      %dma_wait3A_197 = tpu.memref_slice %arg3[%dma_wait3A_195, %dma_wait3A_196] : memref<300000x32xf32, #tpu.memory_space<hbm>> -> memref<300000x32xf32, #tpu.memory_space<hbm>>
      tpu.wait_indirect_dma semaphore(%arg8 : memref<!tpu.dma_semaphore, #tpu.memory_space<semaphore_mem>>) src(%dma_wait3A_197 : memref<300000x32xf32, #tpu.memory_space<hbm>>) dst(%dma_wait3A_191 : memref<128x32xf32, #tpu.memory_space<vmem>>)
      %dma_wait3A_198 = arith.constant 0 : i32
      %dma_wait3A_199 = arith.constant 0 : i32
      %dma_wait3A_200 = arith.constant 640 : i32
      %dma_wait3A_201 = arith.constant 0 : i32
      %dma_wait3A_202 = tpu.memref_slice %arg6[%dma_wait3A_199, %dma_wait3A_200, %dma_wait3A_201] : memref<2x768x32xf32, #tpu.memory_space<vmem>> -> memref<1x128x32xf32, #tpu.memory_space<vmem>>
      %dma_wait3A_203 = tpu.memref_squeeze %dma_wait3A_202 : memref<1x128x32xf32, #tpu.memory_space<vmem>> -> memref<128x32xf32, #tpu.memory_space<vmem>>
      %dma_wait3A_204 = arith.constant 640 : i32
      %dma_wait3A_205 = tpu.memref_slice %arg5[%dma_wait3A_198, %dma_wait3A_204] : memref<2x768xi32, #tpu.memory_space<vmem>> -> memref<1x128xi32, #tpu.memory_space<vmem>>
      %dma_wait3A_206 = tpu.memref_squeeze %dma_wait3A_205 : memref<1x128xi32, #tpu.memory_space<vmem>> -> memref<128xi32, #tpu.memory_space<vmem>>
      %dma_wait3A_207 = arith.constant 0 : i32
      %dma_wait3A_208 = arith.constant 0 : i32
      %dma_wait3A_209 = tpu.memref_slice %arg3[%dma_wait3A_207, %dma_wait3A_208] : memref<300000x32xf32, #tpu.memory_space<hbm>> -> memref<300000x32xf32, #tpu.memory_space<hbm>>
      tpu.wait_indirect_dma semaphore(%arg8 : memref<!tpu.dma_semaphore, #tpu.memory_space<semaphore_mem>>) src(%dma_wait3A_209 : memref<300000x32xf32, #tpu.memory_space<hbm>>) dst(%dma_wait3A_203 : memref<128x32xf32, #tpu.memory_space<vmem>>)
      %ge3A = arith.constant 2 : i32
      %ge3A_210 = arith.cmpi sge, %add3A_132, %ge3A : i32
      %convert_element_type3A_211 = arith.extui %ge3A_210 : i1 to i32
      %cond3A_212 = arith.constant 0 : i32
      %cond3A_213 = arith.cmpi ne, %convert_element_type3A_211, %cond3A_212 : i32
      scf.if %cond3A_213 {
        %sub3A_347 = arith.constant 2 : i32
        %sub3A_348 = arith.subi %add3A_133, %sub3A_347 : i32
        %dma_wait3A_349 = arith.constant 0 : i32
        %dma_wait3A_350 = arith.constant 0 : i32
        %dma_wait3A_351 = arith.constant 0 : i32
        %dma_wait3A_352 = tpu.memref_slice %arg7[%dma_wait3A_349, %dma_wait3A_350, %dma_wait3A_351] : memref<2x64x128xf32, #tpu.memory_space<vmem>> -> memref<1x64x128xf32, #tpu.memory_space<vmem>>
        %dma_wait3A_353 = tpu.memref_squeeze %dma_wait3A_352 : memref<1x64x128xf32, #tpu.memory_space<vmem>> -> memref<64x128xf32, #tpu.memory_space<vmem>>
        %dma_wait3A_354 = arith.constant 0 : i32
        %dma_wait3A_355 = arith.constant 0 : i32
        %dma_wait3A_356 = tpu.memref_slice %arg4[%sub3A_348, %dma_wait3A_354, %dma_wait3A_355] : memref<1024x64x128xf32, #tpu.memory_space<hbm>> -> memref<1x64x128xf32, #tpu.memory_space<hbm>>
        %dma_wait3A_357 = tpu.memref_squeeze %dma_wait3A_356 : memref<1x64x128xf32, #tpu.memory_space<hbm>> -> memref<64x128xf32, #tpu.memory_space<hbm>>
        %dma_wait3A_358 = arith.constant 0 : i32
        %dma_wait3A_359 = arith.constant 0 : i32
        %dma_wait3A_360 = tpu.memref_slice %arg4[%sub3A_348, %dma_wait3A_358, %dma_wait3A_359] : memref<1024x64x128xf32, #tpu.memory_space<hbm>> -> memref<1x64x128xf32, #tpu.memory_space<hbm>>
        %dma_wait3A_361 = tpu.memref_squeeze %dma_wait3A_360 : memref<1x64x128xf32, #tpu.memory_space<hbm>> -> memref<64x128xf32, #tpu.memory_space<hbm>>
        %dma_wait3A_362 = arith.constant 0 : i32
        %dma_wait3A_363 = arith.constant 0 : i32
        %dma_wait3A_364 = tpu.memref_slice %arg7[%dma_wait3A_349, %dma_wait3A_362, %dma_wait3A_363] : memref<2x64x128xf32, #tpu.memory_space<vmem>> -> memref<1x64x128xf32, #tpu.memory_space<vmem>>
        %dma_wait3A_365 = tpu.memref_squeeze %dma_wait3A_364 : memref<1x64x128xf32, #tpu.memory_space<vmem>> -> memref<64x128xf32, #tpu.memory_space<vmem>>
        tpu.wait_dma2 semaphore(%arg10 : memref<!tpu.dma_semaphore, #tpu.memory_space<semaphore_mem>>) src(%dma_wait3A_365 : memref<64x128xf32, #tpu.memory_space<vmem>>) dst(%dma_wait3A_361 : memref<64x128xf32, #tpu.memory_space<hbm>>)
      } else {
      }
      %scan3A_214 = arith.constant 0 : i32
      %scan3A_215 = arith.constant 512 : i32
      %scan3A_216 = arith.addi %scan3A_214, %scan3A_215 : i32
      %scan3A_217 = arith.constant 1 : i32
      scf.for %scan3A_347 = %scan3A_214 to %scan3A_216 step %scan3A_217  : i32 {
        %mul3A_348 = arith.constant 1 : i32
        %mul3A_349 = arith.muli %scan3A_347, %mul3A_348 : i32
        %add3A_350 = arith.constant 0 : i32
        %add3A_351 = arith.addi %add3A_350, %mul3A_349 : i32
        %shift_right_arithmetic3A = arith.constant 5 : i32
        %shift_right_arithmetic3A_352 = arith.shrsi %add3A_351, %shift_right_arithmetic3A : i32
        %and3A = arith.constant 31 : i32
        %and3A_353 = arith.andi %add3A_351, %and3A : i32
        %mul3A_354 = arith.constant 16 : i32
        %mul3A_355 = arith.muli %shift_right_arithmetic3A_352, %mul3A_354 : i32
        %add3A_356 = vector.broadcast %mul3A_355 : i32 to vector<16xi32>
        %add3A_357 = arith.addi %add3A_356, %iota3A : vector<16xi32>
        %add3A_358 = vector.broadcast %and3A_353 : i32 to vector<16xi32>
        %add3A_359 = arith.addi %add3A_358, %iota3A : vector<16xi32>
        %and3A_360 = arith.constant 31 : i32
        %and3A_361 = vector.broadcast %and3A_360 : i32 to vector<16xi32>
        %and3A_362 = arith.andi %add3A_359, %and3A_361 : vector<16xi32>
        %gather3A = arith.constant 0 : i32
        %gather3A_363 = arith.constant 0 : i32
        %gather3A_364 = arith.constant 0 : i32
        %gather3A_365 = tpu.memref_slice %arg6[%gather3A, %gather3A_363, %gather3A_364] : memref<2x768x32xf32, #tpu.memory_space<vmem>> -> memref<1x768x32xf32, #tpu.memory_space<vmem>>
        %gather3A_366 = tpu.memref_squeeze %gather3A_365 : memref<1x768x32xf32, #tpu.memory_space<vmem>> -> memref<768x32xf32, #tpu.memory_space<vmem>>
        %gather3A_367 = tpu.vector_load_idx %gather3A_366[%add3A_357, %and3A_362] : memref<768x32xf32, #tpu.memory_space<vmem>>[vector<16xi32>, vector<16xi32>], vector<16xf32>,
        %add3A_368 = arith.constant 256 : i32
        %add3A_369 = vector.broadcast %add3A_368 : i32 to vector<16xi32>
        %add3A_370 = arith.addi %add3A_357, %add3A_369 : vector<16xi32>
        %gather3A_371 = arith.constant 0 : i32
        %gather3A_372 = arith.constant 0 : i32
        %gather3A_373 = arith.constant 0 : i32
        %gather3A_374 = tpu.memref_slice %arg6[%gather3A_371, %gather3A_372, %gather3A_373] : memref<2x768x32xf32, #tpu.memory_space<vmem>> -> memref<1x768x32xf32, #tpu.memory_space<vmem>>
        %gather3A_375 = tpu.memref_squeeze %gather3A_374 : memref<1x768x32xf32, #tpu.memory_space<vmem>> -> memref<768x32xf32, #tpu.memory_space<vmem>>
        %gather3A_376 = tpu.vector_load_idx %gather3A_375[%add3A_370, %and3A_362] : memref<768x32xf32, #tpu.memory_space<vmem>>[vector<16xi32>, vector<16xi32>], vector<16xf32>,
        %add3A_377 = arith.addf %gather3A_367, %gather3A_376 : vector<16xf32>
        %add3A_378 = arith.constant 512 : i32
        %add3A_379 = vector.broadcast %add3A_378 : i32 to vector<16xi32>
        %add3A_380 = arith.addi %add3A_357, %add3A_379 : vector<16xi32>
        %gather3A_381 = arith.constant 0 : i32
        %gather3A_382 = arith.constant 0 : i32
        %gather3A_383 = arith.constant 0 : i32
        %gather3A_384 = tpu.memref_slice %arg6[%gather3A_381, %gather3A_382, %gather3A_383] : memref<2x768x32xf32, #tpu.memory_space<vmem>> -> memref<1x768x32xf32, #tpu.memory_space<vmem>>
        %gather3A_385 = tpu.memref_squeeze %gather3A_384 : memref<1x768x32xf32, #tpu.memory_space<vmem>> -> memref<768x32xf32, #tpu.memory_space<vmem>>
        %gather3A_386 = tpu.vector_load_idx %gather3A_385[%add3A_380, %and3A_362] : memref<768x32xf32, #tpu.memory_space<vmem>>[vector<16xi32>, vector<16xi32>], vector<16xf32>,
        %add3A_387 = arith.addf %add3A_377, %gather3A_386 : vector<16xf32>
        %mul3A_388 = arith.constant 2 : i32
        %mul3A_389 = vector.broadcast %mul3A_388 : i32 to vector<16xi32>
        %mul3A_390 = arith.muli %mul3A_389, %and3A_362 : vector<16xi32>
        %shift_right_arithmetic3A_391 = arith.constant 3 : i32
        %shift_right_arithmetic3A_392 = arith.shrsi %shift_right_arithmetic3A_352, %shift_right_arithmetic3A_391 : i32
        %add3A_393 = vector.broadcast %shift_right_arithmetic3A_392 : i32 to vector<16xi32>
        %add3A_394 = arith.addi %mul3A_390, %add3A_393 : vector<16xi32>
        %and3A_395 = arith.constant 127 : i32
        %and3A_396 = vector.broadcast %and3A_395 : i32 to vector<16xi32>
        %and3A_397 = arith.andi %add3A_357, %and3A_396 : vector<16xi32>
        %scatter3A = arith.constant 0 : i32
        %scatter3A_398 = arith.constant 0 : i32
        %scatter3A_399 = arith.constant 0 : i32
        %scatter3A_400 = tpu.memref_slice %arg7[%scatter3A, %scatter3A_398, %scatter3A_399] : memref<2x64x128xf32, #tpu.memory_space<vmem>> -> memref<1x64x128xf32, #tpu.memory_space<vmem>>
        %scatter3A_401 = tpu.memref_squeeze %scatter3A_400 : memref<1x64x128xf32, #tpu.memory_space<vmem>> -> memref<64x128xf32, #tpu.memory_space<vmem>>
        tpu.vector_store_idx %scatter3A_401[%add3A_394, %and3A_397], %add3A_387 : memref<64x128xf32, #tpu.memory_space<vmem>>[vector<16xi32>, vector<16xi32>], vector<16xf32>,
      }
      %scan3A_218 = arith.constant 512 : i32
      %dma_start3A_219 = arith.constant 0 : i32
      %dma_start3A_220 = arith.constant 0 : i32
      %dma_start3A_221 = arith.constant 0 : i32
      %dma_start3A_222 = tpu.memref_slice %arg7[%dma_start3A_219, %dma_start3A_220, %dma_start3A_221] : memref<2x64x128xf32, #tpu.memory_space<vmem>> -> memref<1x64x128xf32, #tpu.memory_space<vmem>>
      %dma_start3A_223 = tpu.memref_squeeze %dma_start3A_222 : memref<1x64x128xf32, #tpu.memory_space<vmem>> -> memref<64x128xf32, #tpu.memory_space<vmem>>
      %dma_start3A_224 = arith.constant 0 : i32
      %dma_start3A_225 = arith.constant 0 : i32
      %dma_start3A_226 = tpu.memref_slice %arg4[%add3A_133, %dma_start3A_224, %dma_start3A_225] : memref<1024x64x128xf32, #tpu.memory_space<hbm>> -> memref<1x64x128xf32, #tpu.memory_space<hbm>>
      %dma_start3A_227 = tpu.memref_squeeze %dma_start3A_226 : memref<1x64x128xf32, #tpu.memory_space<hbm>> -> memref<64x128xf32, #tpu.memory_space<hbm>>
      %dma_start3A_228 = arith.constant 0 : i32
      %dma_start3A_229 = arith.constant 0 : i32
      %dma_start3A_230 = tpu.memref_slice %arg4[%add3A_133, %dma_start3A_228, %dma_start3A_229] : memref<1024x64x128xf32, #tpu.memory_space<hbm>> -> memref<1x64x128xf32, #tpu.memory_space<hbm>>
      %dma_start3A_231 = tpu.memref_squeeze %dma_start3A_230 : memref<1x64x128xf32, #tpu.memory_space<hbm>> -> memref<64x128xf32, #tpu.memory_space<hbm>>
      %dma_start3A_232 = arith.constant 0 : i32
      %dma_start3A_233 = arith.constant 0 : i32
      %dma_start3A_234 = tpu.memref_slice %arg7[%dma_start3A_219, %dma_start3A_232, %dma_start3A_233] : memref<2x64x128xf32, #tpu.memory_space<vmem>> -> memref<1x64x128xf32, #tpu.memory_space<vmem>>
      %dma_start3A_235 = tpu.memref_squeeze %dma_start3A_234 : memref<1x64x128xf32, #tpu.memory_space<vmem>> -> memref<64x128xf32, #tpu.memory_space<vmem>>
      tpu.enqueue_dma source(%dma_start3A_235 : memref<64x128xf32, #tpu.memory_space<vmem>>) target(%dma_start3A_231 : memref<64x128xf32, #tpu.memory_space<hbm>>) target_semaphore(%arg10 : memref<!tpu.dma_semaphore, #tpu.memory_space<semaphore_mem>>)
      %mul3A_236 = arith.constant 2 : i32
      %mul3A_237 = arith.muli %add3A_128, %mul3A_236 : i32
      %add3A_238 = arith.constant 1 : i32
      %add3A_239 = arith.addi %mul3A_237, %add3A_238 : i32
      %add3A_240 = arith.addi %mul3A_2, %add3A_239 : i32
      %add3A_241 = arith.constant 1 : i32
      %add3A_242 = arith.addi %add3A_239, %add3A_241 : i32
      %lt3A_243 = arith.constant 32 : i32
      %lt3A_244 = arith.cmpi slt, %add3A_242, %lt3A_243 : i32
      %convert_element_type3A_245 = arith.extui %lt3A_244 : i1 to i32
      %cond3A_246 = arith.constant 0 : i32
      %cond3A_247 = arith.cmpi ne, %convert_element_type3A_245, %cond3A_246 : i32
      scf.if %cond3A_247 {
        %add3A_347 = arith.constant 1 : i32
        %add3A_348 = arith.addi %add3A_240, %add3A_347 : i32
        %mul3A_349 = arith.constant 768 : i32
        %mul3A_350 = arith.muli %add3A_348, %mul3A_349 : i32
        %run_scoped3A_351 = arith.constant 0 : i32
        "tpu.region"() ({
          %run_scoped3A_424 = tpu.sem_alloc : memref<!tpu.dma_semaphore, #tpu.memory_space<semaphore_mem>>
          %dma_start3A_425 = arith.constant 0 : i32
          %dma_start3A_426 = tpu.memref_slice %arg5[%run_scoped3A_351, %dma_start3A_425] : memref<2x768xi32, #tpu.memory_space<vmem>> -> memref<1x768xi32, #tpu.memory_space<vmem>>
          %dma_start3A_427 = tpu.memref_squeeze %dma_start3A_426 : memref<1x768xi32, #tpu.memory_space<vmem>> -> memref<768xi32, #tpu.memory_space<vmem>>
          %dma_start3A_428 = tpu.memref_slice %arg2[%mul3A_350] : memref<786432xi32, #tpu.memory_space<hbm>> -> memref<768xi32, #tpu.memory_space<hbm>>
          %dma_start3A_429 = arith.constant 0 : i32
          %dma_start3A_430 = tpu.memref_slice %arg5[%run_scoped3A_351, %dma_start3A_429] : memref<2x768xi32, #tpu.memory_space<vmem>> -> memref<1x768xi32, #tpu.memory_space<vmem>>
          %dma_start3A_431 = tpu.memref_squeeze %dma_start3A_430 : memref<1x768xi32, #tpu.memory_space<vmem>> -> memref<768xi32, #tpu.memory_space<vmem>>
          %dma_start3A_432 = tpu.memref_slice %arg2[%mul3A_350] : memref<786432xi32, #tpu.memory_space<hbm>> -> memref<768xi32, #tpu.memory_space<hbm>>
          tpu.enqueue_dma source(%dma_start3A_432 : memref<768xi32, #tpu.memory_space<hbm>>) target(%dma_start3A_431 : memref<768xi32, #tpu.memory_space<vmem>>) target_semaphore(%run_scoped3A_424 : memref<!tpu.dma_semaphore, #tpu.memory_space<semaphore_mem>>)
          %dma_wait3A_433 = arith.constant 0 : i32
          %dma_wait3A_434 = tpu.memref_slice %arg5[%run_scoped3A_351, %dma_wait3A_433] : memref<2x768xi32, #tpu.memory_space<vmem>> -> memref<1x768xi32, #tpu.memory_space<vmem>>
          %dma_wait3A_435 = tpu.memref_squeeze %dma_wait3A_434 : memref<1x768xi32, #tpu.memory_space<vmem>> -> memref<768xi32, #tpu.memory_space<vmem>>
          %dma_wait3A_436 = tpu.memref_slice %arg2[%mul3A_350] : memref<786432xi32, #tpu.memory_space<hbm>> -> memref<768xi32, #tpu.memory_space<hbm>>
          %dma_wait3A_437 = arith.constant 0 : i32
          %dma_wait3A_438 = tpu.memref_slice %arg5[%run_scoped3A_351, %dma_wait3A_437] : memref<2x768xi32, #tpu.memory_space<vmem>> -> memref<1x768xi32, #tpu.memory_space<vmem>>
          %dma_wait3A_439 = tpu.memref_squeeze %dma_wait3A_438 : memref<1x768xi32, #tpu.memory_space<vmem>> -> memref<768xi32, #tpu.memory_space<vmem>>
          %dma_wait3A_440 = tpu.memref_slice %arg2[%mul3A_350] : memref<786432xi32, #tpu.memory_space<hbm>> -> memref<768xi32, #tpu.memory_space<hbm>>
          tpu.wait_dma2 semaphore(%run_scoped3A_424 : memref<!tpu.dma_semaphore, #tpu.memory_space<semaphore_mem>>) src(%dma_wait3A_440 : memref<768xi32, #tpu.memory_space<hbm>>) dst(%dma_wait3A_439 : memref<768xi32, #tpu.memory_space<vmem>>)
          tpu.yield
        }) : () -> ()
        %dma_start3A_352 = arith.constant 0 : i32
        %dma_start3A_353 = arith.constant 0 : i32
        %dma_start3A_354 = arith.constant 0 : i32
        %dma_start3A_355 = arith.constant 0 : i32
        %dma_start3A_356 = tpu.memref_slice %arg6[%dma_start3A_353, %dma_start3A_354, %dma_start3A_355] : memref<2x768x32xf32, #tpu.memory_space<vmem>> -> memref<1x128x32xf32, #tpu.memory_space<vmem>>
        %dma_start3A_357 = tpu.memref_squeeze %dma_start3A_356 : memref<1x128x32xf32, #tpu.memory_space<vmem>> -> memref<128x32xf32, #tpu.memory_space<vmem>>
        %dma_start3A_358 = arith.constant 0 : i32
        %dma_start3A_359 = tpu.memref_slice %arg5[%dma_start3A_352, %dma_start3A_358] : memref<2x768xi32, #tpu.memory_space<vmem>> -> memref<1x128xi32, #tpu.memory_space<vmem>>
        %dma_start3A_360 = tpu.memref_squeeze %dma_start3A_359 : memref<1x128xi32, #tpu.memory_space<vmem>> -> memref<128xi32, #tpu.memory_space<vmem>>
        %dma_start3A_361 = arith.constant 0 : i32
        %dma_start3A_362 = arith.constant 0 : i32
        %dma_start3A_363 = tpu.memref_slice %arg3[%dma_start3A_361, %dma_start3A_362] : memref<300000x32xf32, #tpu.memory_space<hbm>> -> memref<300000x32xf32, #tpu.memory_space<hbm>>
        tpu.enqueue_indirect_dma source(%dma_start3A_363 : memref<300000x32xf32, #tpu.memory_space<hbm>>) target(%dma_start3A_357 : memref<128x32xf32, #tpu.memory_space<vmem>>) offsets(%dma_start3A_360 : memref<128xi32, #tpu.memory_space<vmem>>) semaphore(%arg8 : memref<!tpu.dma_semaphore, #tpu.memory_space<semaphore_mem>>)
        %dma_start3A_364 = arith.constant 0 : i32
        %dma_start3A_365 = arith.constant 0 : i32
        %dma_start3A_366 = arith.constant 128 : i32
        %dma_start3A_367 = arith.constant 0 : i32
        %dma_start3A_368 = tpu.memref_slice %arg6[%dma_start3A_365, %dma_start3A_366, %dma_start3A_367] : memref<2x768x32xf32, #tpu.memory_space<vmem>> -> memref<1x128x32xf32, #tpu.memory_space<vmem>>
        %dma_start3A_369 = tpu.memref_squeeze %dma_start3A_368 : memref<1x128x32xf32, #tpu.memory_space<vmem>> -> memref<128x32xf32, #tpu.memory_space<vmem>>
        %dma_start3A_370 = arith.constant 128 : i32
        %dma_start3A_371 = tpu.memref_slice %arg5[%dma_start3A_364, %dma_start3A_370] : memref<2x768xi32, #tpu.memory_space<vmem>> -> memref<1x128xi32, #tpu.memory_space<vmem>>
        %dma_start3A_372 = tpu.memref_squeeze %dma_start3A_371 : memref<1x128xi32, #tpu.memory_space<vmem>> -> memref<128xi32, #tpu.memory_space<vmem>>
        %dma_start3A_373 = arith.constant 0 : i32
        %dma_start3A_374 = arith.constant 0 : i32
        %dma_start3A_375 = tpu.memref_slice %arg3[%dma_start3A_373, %dma_start3A_374] : memref<300000x32xf32, #tpu.memory_space<hbm>> -> memref<300000x32xf32, #tpu.memory_space<hbm>>
        tpu.enqueue_indirect_dma source(%dma_start3A_375 : memref<300000x32xf32, #tpu.memory_space<hbm>>) target(%dma_start3A_369 : memref<128x32xf32, #tpu.memory_space<vmem>>) offsets(%dma_start3A_372 : memref<128xi32, #tpu.memory_space<vmem>>) semaphore(%arg8 : memref<!tpu.dma_semaphore, #tpu.memory_space<semaphore_mem>>)
        %dma_start3A_376 = arith.constant 0 : i32
        %dma_start3A_377 = arith.constant 0 : i32
        %dma_start3A_378 = arith.constant 256 : i32
        %dma_start3A_379 = arith.constant 0 : i32
        %dma_start3A_380 = tpu.memref_slice %arg6[%dma_start3A_377, %dma_start3A_378, %dma_start3A_379] : memref<2x768x32xf32, #tpu.memory_space<vmem>> -> memref<1x128x32xf32, #tpu.memory_space<vmem>>
        %dma_start3A_381 = tpu.memref_squeeze %dma_start3A_380 : memref<1x128x32xf32, #tpu.memory_space<vmem>> -> memref<128x32xf32, #tpu.memory_space<vmem>>
        %dma_start3A_382 = arith.constant 256 : i32
        %dma_start3A_383 = tpu.memref_slice %arg5[%dma_start3A_376, %dma_start3A_382] : memref<2x768xi32, #tpu.memory_space<vmem>> -> memref<1x128xi32, #tpu.memory_space<vmem>>
        %dma_start3A_384 = tpu.memref_squeeze %dma_start3A_383 : memref<1x128xi32, #tpu.memory_space<vmem>> -> memref<128xi32, #tpu.memory_space<vmem>>
        %dma_start3A_385 = arith.constant 0 : i32
        %dma_start3A_386 = arith.constant 0 : i32
        %dma_start3A_387 = tpu.memref_slice %arg3[%dma_start3A_385, %dma_start3A_386] : memref<300000x32xf32, #tpu.memory_space<hbm>> -> memref<300000x32xf32, #tpu.memory_space<hbm>>
        tpu.enqueue_indirect_dma source(%dma_start3A_387 : memref<300000x32xf32, #tpu.memory_space<hbm>>) target(%dma_start3A_381 : memref<128x32xf32, #tpu.memory_space<vmem>>) offsets(%dma_start3A_384 : memref<128xi32, #tpu.memory_space<vmem>>) semaphore(%arg8 : memref<!tpu.dma_semaphore, #tpu.memory_space<semaphore_mem>>)
        %dma_start3A_388 = arith.constant 0 : i32
        %dma_start3A_389 = arith.constant 0 : i32
        %dma_start3A_390 = arith.constant 384 : i32
        %dma_start3A_391 = arith.constant 0 : i32
        %dma_start3A_392 = tpu.memref_slice %arg6[%dma_start3A_389, %dma_start3A_390, %dma_start3A_391] : memref<2x768x32xf32, #tpu.memory_space<vmem>> -> memref<1x128x32xf32, #tpu.memory_space<vmem>>
        %dma_start3A_393 = tpu.memref_squeeze %dma_start3A_392 : memref<1x128x32xf32, #tpu.memory_space<vmem>> -> memref<128x32xf32, #tpu.memory_space<vmem>>
        %dma_start3A_394 = arith.constant 384 : i32
        %dma_start3A_395 = tpu.memref_slice %arg5[%dma_start3A_388, %dma_start3A_394] : memref<2x768xi32, #tpu.memory_space<vmem>> -> memref<1x128xi32, #tpu.memory_space<vmem>>
        %dma_start3A_396 = tpu.memref_squeeze %dma_start3A_395 : memref<1x128xi32, #tpu.memory_space<vmem>> -> memref<128xi32, #tpu.memory_space<vmem>>
        %dma_start3A_397 = arith.constant 0 : i32
        %dma_start3A_398 = arith.constant 0 : i32
        %dma_start3A_399 = tpu.memref_slice %arg3[%dma_start3A_397, %dma_start3A_398] : memref<300000x32xf32, #tpu.memory_space<hbm>> -> memref<300000x32xf32, #tpu.memory_space<hbm>>
        tpu.enqueue_indirect_dma source(%dma_start3A_399 : memref<300000x32xf32, #tpu.memory_space<hbm>>) target(%dma_start3A_393 : memref<128x32xf32, #tpu.memory_space<vmem>>) offsets(%dma_start3A_396 : memref<128xi32, #tpu.memory_space<vmem>>) semaphore(%arg8 : memref<!tpu.dma_semaphore, #tpu.memory_space<semaphore_mem>>)
        %dma_start3A_400 = arith.constant 0 : i32
        %dma_start3A_401 = arith.constant 0 : i32
        %dma_start3A_402 = arith.constant 512 : i32
        %dma_start3A_403 = arith.constant 0 : i32
        %dma_start3A_404 = tpu.memref_slice %arg6[%dma_start3A_401, %dma_start3A_402, %dma_start3A_403] : memref<2x768x32xf32, #tpu.memory_space<vmem>> -> memref<1x128x32xf32, #tpu.memory_space<vmem>>
        %dma_start3A_405 = tpu.memref_squeeze %dma_start3A_404 : memref<1x128x32xf32, #tpu.memory_space<vmem>> -> memref<128x32xf32, #tpu.memory_space<vmem>>
        %dma_start3A_406 = arith.constant 512 : i32
        %dma_start3A_407 = tpu.memref_slice %arg5[%dma_start3A_400, %dma_start3A_406] : memref<2x768xi32, #tpu.memory_space<vmem>> -> memref<1x128xi32, #tpu.memory_space<vmem>>
        %dma_start3A_408 = tpu.memref_squeeze %dma_start3A_407 : memref<1x128xi32, #tpu.memory_space<vmem>> -> memref<128xi32, #tpu.memory_space<vmem>>
        %dma_start3A_409 = arith.constant 0 : i32
        %dma_start3A_410 = arith.constant 0 : i32
        %dma_start3A_411 = tpu.memref_slice %arg3[%dma_start3A_409, %dma_start3A_410] : memref<300000x32xf32, #tpu.memory_space<hbm>> -> memref<300000x32xf32, #tpu.memory_space<hbm>>
        tpu.enqueue_indirect_dma source(%dma_start3A_411 : memref<300000x32xf32, #tpu.memory_space<hbm>>) target(%dma_start3A_405 : memref<128x32xf32, #tpu.memory_space<vmem>>) offsets(%dma_start3A_408 : memref<128xi32, #tpu.memory_space<vmem>>) semaphore(%arg8 : memref<!tpu.dma_semaphore, #tpu.memory_space<semaphore_mem>>)
        %dma_start3A_412 = arith.constant 0 : i32
        %dma_start3A_413 = arith.constant 0 : i32
        %dma_start3A_414 = arith.constant 640 : i32
        %dma_start3A_415 = arith.constant 0 : i32
        %dma_start3A_416 = tpu.memref_slice %arg6[%dma_start3A_413, %dma_start3A_414, %dma_start3A_415] : memref<2x768x32xf32, #tpu.memory_space<vmem>> -> memref<1x128x32xf32, #tpu.memory_space<vmem>>
        %dma_start3A_417 = tpu.memref_squeeze %dma_start3A_416 : memref<1x128x32xf32, #tpu.memory_space<vmem>> -> memref<128x32xf32, #tpu.memory_space<vmem>>
        %dma_start3A_418 = arith.constant 640 : i32
        %dma_start3A_419 = tpu.memref_slice %arg5[%dma_start3A_412, %dma_start3A_418] : memref<2x768xi32, #tpu.memory_space<vmem>> -> memref<1x128xi32, #tpu.memory_space<vmem>>
        %dma_start3A_420 = tpu.memref_squeeze %dma_start3A_419 : memref<1x128xi32, #tpu.memory_space<vmem>> -> memref<128xi32, #tpu.memory_space<vmem>>
        %dma_start3A_421 = arith.constant 0 : i32
        %dma_start3A_422 = arith.constant 0 : i32
        %dma_start3A_423 = tpu.memref_slice %arg3[%dma_start3A_421, %dma_start3A_422] : memref<300000x32xf32, #tpu.memory_space<hbm>> -> memref<300000x32xf32, #tpu.memory_space<hbm>>
        tpu.enqueue_indirect_dma source(%dma_start3A_423 : memref<300000x32xf32, #tpu.memory_space<hbm>>) target(%dma_start3A_417 : memref<128x32xf32, #tpu.memory_space<vmem>>) offsets(%dma_start3A_420 : memref<128xi32, #tpu.memory_space<vmem>>) semaphore(%arg8 : memref<!tpu.dma_semaphore, #tpu.memory_space<semaphore_mem>>)
      } else {
      }
      %dma_wait3A_248 = arith.constant 1 : i32
      %dma_wait3A_249 = arith.constant 1 : i32
      %dma_wait3A_250 = arith.constant 0 : i32
      %dma_wait3A_251 = arith.constant 0 : i32
      %dma_wait3A_252 = tpu.memref_slice %arg6[%dma_wait3A_249, %dma_wait3A_250, %dma_wait3A_251] : memref<2x768x32xf32, #tpu.memory_space<vmem>> -> memref<1x128x32xf32, #tpu.memory_space<vmem>>
      %dma_wait3A_253 = tpu.memref_squeeze %dma_wait3A_252 : memref<1x128x32xf32, #tpu.memory_space<vmem>> -> memref<128x32xf32, #tpu.memory_space<vmem>>
      %dma_wait3A_254 = arith.constant 0 : i32
      %dma_wait3A_255 = tpu.memref_slice %arg5[%dma_wait3A_248, %dma_wait3A_254] : memref<2x768xi32, #tpu.memory_space<vmem>> -> memref<1x128xi32, #tpu.memory_space<vmem>>
      %dma_wait3A_256 = tpu.memref_squeeze %dma_wait3A_255 : memref<1x128xi32, #tpu.memory_space<vmem>> -> memref<128xi32, #tpu.memory_space<vmem>>
      %dma_wait3A_257 = arith.constant 0 : i32
      %dma_wait3A_258 = arith.constant 0 : i32
      %dma_wait3A_259 = tpu.memref_slice %arg3[%dma_wait3A_257, %dma_wait3A_258] : memref<300000x32xf32, #tpu.memory_space<hbm>> -> memref<300000x32xf32, #tpu.memory_space<hbm>>
      tpu.wait_indirect_dma semaphore(%arg9 : memref<!tpu.dma_semaphore, #tpu.memory_space<semaphore_mem>>) src(%dma_wait3A_259 : memref<300000x32xf32, #tpu.memory_space<hbm>>) dst(%dma_wait3A_253 : memref<128x32xf32, #tpu.memory_space<vmem>>)
      %dma_wait3A_260 = arith.constant 1 : i32
      %dma_wait3A_261 = arith.constant 1 : i32
      %dma_wait3A_262 = arith.constant 128 : i32
      %dma_wait3A_263 = arith.constant 0 : i32
      %dma_wait3A_264 = tpu.memref_slice %arg6[%dma_wait3A_261, %dma_wait3A_262, %dma_wait3A_263] : memref<2x768x32xf32, #tpu.memory_space<vmem>> -> memref<1x128x32xf32, #tpu.memory_space<vmem>>
      %dma_wait3A_265 = tpu.memref_squeeze %dma_wait3A_264 : memref<1x128x32xf32, #tpu.memory_space<vmem>> -> memref<128x32xf32, #tpu.memory_space<vmem>>
      %dma_wait3A_266 = arith.constant 128 : i32
      %dma_wait3A_267 = tpu.memref_slice %arg5[%dma_wait3A_260, %dma_wait3A_266] : memref<2x768xi32, #tpu.memory_space<vmem>> -> memref<1x128xi32, #tpu.memory_space<vmem>>
      %dma_wait3A_268 = tpu.memref_squeeze %dma_wait3A_267 : memref<1x128xi32, #tpu.memory_space<vmem>> -> memref<128xi32, #tpu.memory_space<vmem>>
      %dma_wait3A_269 = arith.constant 0 : i32
      %dma_wait3A_270 = arith.constant 0 : i32
      %dma_wait3A_271 = tpu.memref_slice %arg3[%dma_wait3A_269, %dma_wait3A_270] : memref<300000x32xf32, #tpu.memory_space<hbm>> -> memref<300000x32xf32, #tpu.memory_space<hbm>>
      tpu.wait_indirect_dma semaphore(%arg9 : memref<!tpu.dma_semaphore, #tpu.memory_space<semaphore_mem>>) src(%dma_wait3A_271 : memref<300000x32xf32, #tpu.memory_space<hbm>>) dst(%dma_wait3A_265 : memref<128x32xf32, #tpu.memory_space<vmem>>)
      %dma_wait3A_272 = arith.constant 1 : i32
      %dma_wait3A_273 = arith.constant 1 : i32
      %dma_wait3A_274 = arith.constant 256 : i32
      %dma_wait3A_275 = arith.constant 0 : i32
      %dma_wait3A_276 = tpu.memref_slice %arg6[%dma_wait3A_273, %dma_wait3A_274, %dma_wait3A_275] : memref<2x768x32xf32, #tpu.memory_space<vmem>> -> memref<1x128x32xf32, #tpu.memory_space<vmem>>
      %dma_wait3A_277 = tpu.memref_squeeze %dma_wait3A_276 : memref<1x128x32xf32, #tpu.memory_space<vmem>> -> memref<128x32xf32, #tpu.memory_space<vmem>>
      %dma_wait3A_278 = arith.constant 256 : i32
      %dma_wait3A_279 = tpu.memref_slice %arg5[%dma_wait3A_272, %dma_wait3A_278] : memref<2x768xi32, #tpu.memory_space<vmem>> -> memref<1x128xi32, #tpu.memory_space<vmem>>
      %dma_wait3A_280 = tpu.memref_squeeze %dma_wait3A_279 : memref<1x128xi32, #tpu.memory_space<vmem>> -> memref<128xi32, #tpu.memory_space<vmem>>
      %dma_wait3A_281 = arith.constant 0 : i32
      %dma_wait3A_282 = arith.constant 0 : i32
      %dma_wait3A_283 = tpu.memref_slice %arg3[%dma_wait3A_281, %dma_wait3A_282] : memref<300000x32xf32, #tpu.memory_space<hbm>> -> memref<300000x32xf32, #tpu.memory_space<hbm>>
      tpu.wait_indirect_dma semaphore(%arg9 : memref<!tpu.dma_semaphore, #tpu.memory_space<semaphore_mem>>) src(%dma_wait3A_283 : memref<300000x32xf32, #tpu.memory_space<hbm>>) dst(%dma_wait3A_277 : memref<128x32xf32, #tpu.memory_space<vmem>>)
      %dma_wait3A_284 = arith.constant 1 : i32
      %dma_wait3A_285 = arith.constant 1 : i32
      %dma_wait3A_286 = arith.constant 384 : i32
      %dma_wait3A_287 = arith.constant 0 : i32
      %dma_wait3A_288 = tpu.memref_slice %arg6[%dma_wait3A_285, %dma_wait3A_286, %dma_wait3A_287] : memref<2x768x32xf32, #tpu.memory_space<vmem>> -> memref<1x128x32xf32, #tpu.memory_space<vmem>>
      %dma_wait3A_289 = tpu.memref_squeeze %dma_wait3A_288 : memref<1x128x32xf32, #tpu.memory_space<vmem>> -> memref<128x32xf32, #tpu.memory_space<vmem>>
      %dma_wait3A_290 = arith.constant 384 : i32
      %dma_wait3A_291 = tpu.memref_slice %arg5[%dma_wait3A_284, %dma_wait3A_290] : memref<2x768xi32, #tpu.memory_space<vmem>> -> memref<1x128xi32, #tpu.memory_space<vmem>>
      %dma_wait3A_292 = tpu.memref_squeeze %dma_wait3A_291 : memref<1x128xi32, #tpu.memory_space<vmem>> -> memref<128xi32, #tpu.memory_space<vmem>>
      %dma_wait3A_293 = arith.constant 0 : i32
      %dma_wait3A_294 = arith.constant 0 : i32
      %dma_wait3A_295 = tpu.memref_slice %arg3[%dma_wait3A_293, %dma_wait3A_294] : memref<300000x32xf32, #tpu.memory_space<hbm>> -> memref<300000x32xf32, #tpu.memory_space<hbm>>
      tpu.wait_indirect_dma semaphore(%arg9 : memref<!tpu.dma_semaphore, #tpu.memory_space<semaphore_mem>>) src(%dma_wait3A_295 : memref<300000x32xf32, #tpu.memory_space<hbm>>) dst(%dma_wait3A_289 : memref<128x32xf32, #tpu.memory_space<vmem>>)
      %dma_wait3A_296 = arith.constant 1 : i32
      %dma_wait3A_297 = arith.constant 1 : i32
      %dma_wait3A_298 = arith.constant 512 : i32
      %dma_wait3A_299 = arith.constant 0 : i32
      %dma_wait3A_300 = tpu.memref_slice %arg6[%dma_wait3A_297, %dma_wait3A_298, %dma_wait3A_299] : memref<2x768x32xf32, #tpu.memory_space<vmem>> -> memref<1x128x32xf32, #tpu.memory_space<vmem>>
      %dma_wait3A_301 = tpu.memref_squeeze %dma_wait3A_300 : memref<1x128x32xf32, #tpu.memory_space<vmem>> -> memref<128x32xf32, #tpu.memory_space<vmem>>
      %dma_wait3A_302 = arith.constant 512 : i32
      %dma_wait3A_303 = tpu.memref_slice %arg5[%dma_wait3A_296, %dma_wait3A_302] : memref<2x768xi32, #tpu.memory_space<vmem>> -> memref<1x128xi32, #tpu.memory_space<vmem>>
      %dma_wait3A_304 = tpu.memref_squeeze %dma_wait3A_303 : memref<1x128xi32, #tpu.memory_space<vmem>> -> memref<128xi32, #tpu.memory_space<vmem>>
      %dma_wait3A_305 = arith.constant 0 : i32
      %dma_wait3A_306 = arith.constant 0 : i32
      %dma_wait3A_307 = tpu.memref_slice %arg3[%dma_wait3A_305, %dma_wait3A_306] : memref<300000x32xf32, #tpu.memory_space<hbm>> -> memref<300000x32xf32, #tpu.memory_space<hbm>>
      tpu.wait_indirect_dma semaphore(%arg9 : memref<!tpu.dma_semaphore, #tpu.memory_space<semaphore_mem>>) src(%dma_wait3A_307 : memref<300000x32xf32, #tpu.memory_space<hbm>>) dst(%dma_wait3A_301 : memref<128x32xf32, #tpu.memory_space<vmem>>)
      %dma_wait3A_308 = arith.constant 1 : i32
      %dma_wait3A_309 = arith.constant 1 : i32
      %dma_wait3A_310 = arith.constant 640 : i32
      %dma_wait3A_311 = arith.constant 0 : i32
      %dma_wait3A_312 = tpu.memref_slice %arg6[%dma_wait3A_309, %dma_wait3A_310, %dma_wait3A_311] : memref<2x768x32xf32, #tpu.memory_space<vmem>> -> memref<1x128x32xf32, #tpu.memory_space<vmem>>
      %dma_wait3A_313 = tpu.memref_squeeze %dma_wait3A_312 : memref<1x128x32xf32, #tpu.memory_space<vmem>> -> memref<128x32xf32, #tpu.memory_space<vmem>>
      %dma_wait3A_314 = arith.constant 640 : i32
      %dma_wait3A_315 = tpu.memref_slice %arg5[%dma_wait3A_308, %dma_wait3A_314] : memref<2x768xi32, #tpu.memory_space<vmem>> -> memref<1x128xi32, #tpu.memory_space<vmem>>
      %dma_wait3A_316 = tpu.memref_squeeze %dma_wait3A_315 : memref<1x128xi32, #tpu.memory_space<vmem>> -> memref<128xi32, #tpu.memory_space<vmem>>
      %dma_wait3A_317 = arith.constant 0 : i32
      %dma_wait3A_318 = arith.constant 0 : i32
      %dma_wait3A_319 = tpu.memref_slice %arg3[%dma_wait3A_317, %dma_wait3A_318] : memref<300000x32xf32, #tpu.memory_space<hbm>> -> memref<300000x32xf32, #tpu.memory_space<hbm>>
      tpu.wait_indirect_dma semaphore(%arg9 : memref<!tpu.dma_semaphore, #tpu.memory_space<semaphore_mem>>) src(%dma_wait3A_319 : memref<300000x32xf32, #tpu.memory_space<hbm>>) dst(%dma_wait3A_313 : memref<128x32xf32, #tpu.memory_space<vmem>>)
      %ge3A_320 = arith.constant 2 : i32
      %ge3A_321 = arith.cmpi sge, %add3A_239, %ge3A_320 : i32
      %convert_element_type3A_322 = arith.extui %ge3A_321 : i1 to i32
      %cond3A_323 = arith.constant 0 : i32
      %cond3A_324 = arith.cmpi ne, %convert_element_type3A_322, %cond3A_323 : i32
      scf.if %cond3A_324 {
        %sub3A_347 = arith.constant 2 : i32
        %sub3A_348 = arith.subi %add3A_240, %sub3A_347 : i32
        %dma_wait3A_349 = arith.constant 1 : i32
        %dma_wait3A_350 = arith.constant 0 : i32
        %dma_wait3A_351 = arith.constant 0 : i32
        %dma_wait3A_352 = tpu.memref_slice %arg7[%dma_wait3A_349, %dma_wait3A_350, %dma_wait3A_351] : memref<2x64x128xf32, #tpu.memory_space<vmem>> -> memref<1x64x128xf32, #tpu.memory_space<vmem>>
        %dma_wait3A_353 = tpu.memref_squeeze %dma_wait3A_352 : memref<1x64x128xf32, #tpu.memory_space<vmem>> -> memref<64x128xf32, #tpu.memory_space<vmem>>
        %dma_wait3A_354 = arith.constant 0 : i32
        %dma_wait3A_355 = arith.constant 0 : i32
        %dma_wait3A_356 = tpu.memref_slice %arg4[%sub3A_348, %dma_wait3A_354, %dma_wait3A_355] : memref<1024x64x128xf32, #tpu.memory_space<hbm>> -> memref<1x64x128xf32, #tpu.memory_space<hbm>>
        %dma_wait3A_357 = tpu.memref_squeeze %dma_wait3A_356 : memref<1x64x128xf32, #tpu.memory_space<hbm>> -> memref<64x128xf32, #tpu.memory_space<hbm>>
        %dma_wait3A_358 = arith.constant 0 : i32
        %dma_wait3A_359 = arith.constant 0 : i32
        %dma_wait3A_360 = tpu.memref_slice %arg4[%sub3A_348, %dma_wait3A_358, %dma_wait3A_359] : memref<1024x64x128xf32, #tpu.memory_space<hbm>> -> memref<1x64x128xf32, #tpu.memory_space<hbm>>
        %dma_wait3A_361 = tpu.memref_squeeze %dma_wait3A_360 : memref<1x64x128xf32, #tpu.memory_space<hbm>> -> memref<64x128xf32, #tpu.memory_space<hbm>>
        %dma_wait3A_362 = arith.constant 0 : i32
        %dma_wait3A_363 = arith.constant 0 : i32
        %dma_wait3A_364 = tpu.memref_slice %arg7[%dma_wait3A_349, %dma_wait3A_362, %dma_wait3A_363] : memref<2x64x128xf32, #tpu.memory_space<vmem>> -> memref<1x64x128xf32, #tpu.memory_space<vmem>>
        %dma_wait3A_365 = tpu.memref_squeeze %dma_wait3A_364 : memref<1x64x128xf32, #tpu.memory_space<vmem>> -> memref<64x128xf32, #tpu.memory_space<vmem>>
        tpu.wait_dma2 semaphore(%arg10 : memref<!tpu.dma_semaphore, #tpu.memory_space<semaphore_mem>>) src(%dma_wait3A_365 : memref<64x128xf32, #tpu.memory_space<vmem>>) dst(%dma_wait3A_361 : memref<64x128xf32, #tpu.memory_space<hbm>>)
      } else {
      }
      %scan3A_325 = arith.constant 0 : i32
      %scan3A_326 = arith.constant 512 : i32
      %scan3A_327 = arith.addi %scan3A_325, %scan3A_326 : i32
      %scan3A_328 = arith.constant 1 : i32
      scf.for %scan3A_347 = %scan3A_325 to %scan3A_327 step %scan3A_328  : i32 {
        %mul3A_348 = arith.constant 1 : i32
        %mul3A_349 = arith.muli %scan3A_347, %mul3A_348 : i32
        %add3A_350 = arith.constant 0 : i32
        %add3A_351 = arith.addi %add3A_350, %mul3A_349 : i32
        %shift_right_arithmetic3A = arith.constant 5 : i32
        %shift_right_arithmetic3A_352 = arith.shrsi %add3A_351, %shift_right_arithmetic3A : i32
        %and3A = arith.constant 31 : i32
        %and3A_353 = arith.andi %add3A_351, %and3A : i32
        %mul3A_354 = arith.constant 16 : i32
        %mul3A_355 = arith.muli %shift_right_arithmetic3A_352, %mul3A_354 : i32
        %add3A_356 = vector.broadcast %mul3A_355 : i32 to vector<16xi32>
        %add3A_357 = arith.addi %add3A_356, %iota3A : vector<16xi32>
        %add3A_358 = vector.broadcast %and3A_353 : i32 to vector<16xi32>
        %add3A_359 = arith.addi %add3A_358, %iota3A : vector<16xi32>
        %and3A_360 = arith.constant 31 : i32
        %and3A_361 = vector.broadcast %and3A_360 : i32 to vector<16xi32>
        %and3A_362 = arith.andi %add3A_359, %and3A_361 : vector<16xi32>
        %gather3A = arith.constant 1 : i32
        %gather3A_363 = arith.constant 0 : i32
        %gather3A_364 = arith.constant 0 : i32
        %gather3A_365 = tpu.memref_slice %arg6[%gather3A, %gather3A_363, %gather3A_364] : memref<2x768x32xf32, #tpu.memory_space<vmem>> -> memref<1x768x32xf32, #tpu.memory_space<vmem>>
        %gather3A_366 = tpu.memref_squeeze %gather3A_365 : memref<1x768x32xf32, #tpu.memory_space<vmem>> -> memref<768x32xf32, #tpu.memory_space<vmem>>
        %gather3A_367 = tpu.vector_load_idx %gather3A_366[%add3A_357, %and3A_362] : memref<768x32xf32, #tpu.memory_space<vmem>>[vector<16xi32>, vector<16xi32>], vector<16xf32>,
        %add3A_368 = arith.constant 256 : i32
        %add3A_369 = vector.broadcast %add3A_368 : i32 to vector<16xi32>
        %add3A_370 = arith.addi %add3A_357, %add3A_369 : vector<16xi32>
        %gather3A_371 = arith.constant 1 : i32
        %gather3A_372 = arith.constant 0 : i32
        %gather3A_373 = arith.constant 0 : i32
        %gather3A_374 = tpu.memref_slice %arg6[%gather3A_371, %gather3A_372, %gather3A_373] : memref<2x768x32xf32, #tpu.memory_space<vmem>> -> memref<1x768x32xf32, #tpu.memory_space<vmem>>
        %gather3A_375 = tpu.memref_squeeze %gather3A_374 : memref<1x768x32xf32, #tpu.memory_space<vmem>> -> memref<768x32xf32, #tpu.memory_space<vmem>>
        %gather3A_376 = tpu.vector_load_idx %gather3A_375[%add3A_370, %and3A_362] : memref<768x32xf32, #tpu.memory_space<vmem>>[vector<16xi32>, vector<16xi32>], vector<16xf32>,
        %add3A_377 = arith.addf %gather3A_367, %gather3A_376 : vector<16xf32>
        %add3A_378 = arith.constant 512 : i32
        %add3A_379 = vector.broadcast %add3A_378 : i32 to vector<16xi32>
        %add3A_380 = arith.addi %add3A_357, %add3A_379 : vector<16xi32>
        %gather3A_381 = arith.constant 1 : i32
        %gather3A_382 = arith.constant 0 : i32
        %gather3A_383 = arith.constant 0 : i32
        %gather3A_384 = tpu.memref_slice %arg6[%gather3A_381, %gather3A_382, %gather3A_383] : memref<2x768x32xf32, #tpu.memory_space<vmem>> -> memref<1x768x32xf32, #tpu.memory_space<vmem>>
        %gather3A_385 = tpu.memref_squeeze %gather3A_384 : memref<1x768x32xf32, #tpu.memory_space<vmem>> -> memref<768x32xf32, #tpu.memory_space<vmem>>
        %gather3A_386 = tpu.vector_load_idx %gather3A_385[%add3A_380, %and3A_362] : memref<768x32xf32, #tpu.memory_space<vmem>>[vector<16xi32>, vector<16xi32>], vector<16xf32>,
        %add3A_387 = arith.addf %add3A_377, %gather3A_386 : vector<16xf32>
        %mul3A_388 = arith.constant 2 : i32
        %mul3A_389 = vector.broadcast %mul3A_388 : i32 to vector<16xi32>
        %mul3A_390 = arith.muli %mul3A_389, %and3A_362 : vector<16xi32>
        %shift_right_arithmetic3A_391 = arith.constant 3 : i32
        %shift_right_arithmetic3A_392 = arith.shrsi %shift_right_arithmetic3A_352, %shift_right_arithmetic3A_391 : i32
        %add3A_393 = vector.broadcast %shift_right_arithmetic3A_392 : i32 to vector<16xi32>
        %add3A_394 = arith.addi %mul3A_390, %add3A_393 : vector<16xi32>
        %and3A_395 = arith.constant 127 : i32
        %and3A_396 = vector.broadcast %and3A_395 : i32 to vector<16xi32>
        %and3A_397 = arith.andi %add3A_357, %and3A_396 : vector<16xi32>
        %scatter3A = arith.constant 1 : i32
        %scatter3A_398 = arith.constant 0 : i32
        %scatter3A_399 = arith.constant 0 : i32
        %scatter3A_400 = tpu.memref_slice %arg7[%scatter3A, %scatter3A_398, %scatter3A_399] : memref<2x64x128xf32, #tpu.memory_space<vmem>> -> memref<1x64x128xf32, #tpu.memory_space<vmem>>
        %scatter3A_401 = tpu.memref_squeeze %scatter3A_400 : memref<1x64x128xf32, #tpu.memory_space<vmem>> -> memref<64x128xf32, #tpu.memory_space<vmem>>
        tpu.vector_store_idx %scatter3A_401[%add3A_394, %and3A_397], %add3A_387 : memref<64x128xf32, #tpu.memory_space<vmem>>[vector<16xi32>, vector<16xi32>], vector<16xf32>,
      }
      %scan3A_329 = arith.constant 512 : i32
      %dma_start3A_330 = arith.constant 1 : i32
      %dma_start3A_331 = arith.constant 0 : i32
      %dma_start3A_332 = arith.constant 0 : i32
      %dma_start3A_333 = tpu.memref_slice %arg7[%dma_start3A_330, %dma_start3A_331, %dma_start3A_332] : memref<2x64x128xf32, #tpu.memory_space<vmem>> -> memref<1x64x128xf32, #tpu.memory_space<vmem>>
      %dma_start3A_334 = tpu.memref_squeeze %dma_start3A_333 : memref<1x64x128xf32, #tpu.memory_space<vmem>> -> memref<64x128xf32, #tpu.memory_space<vmem>>
      %dma_start3A_335 = arith.constant 0 : i32
      %dma_start3A_336 = arith.constant 0 : i32
      %dma_start3A_337 = tpu.memref_slice %arg4[%add3A_240, %dma_start3A_335, %dma_start3A_336] : memref<1024x64x128xf32, #tpu.memory_space<hbm>> -> memref<1x64x128xf32, #tpu.memory_space<hbm>>
      %dma_start3A_338 = tpu.memref_squeeze %dma_start3A_337 : memref<1x64x128xf32, #tpu.memory_space<hbm>> -> memref<64x128xf32, #tpu.memory_space<hbm>>
      %dma_start3A_339 = arith.constant 0 : i32
      %dma_start3A_340 = arith.constant 0 : i32
      %dma_start3A_341 = tpu.memref_slice %arg4[%add3A_240, %dma_start3A_339, %dma_start3A_340] : memref<1024x64x128xf32, #tpu.memory_space<hbm>> -> memref<1x64x128xf32, #tpu.memory_space<hbm>>
      %dma_start3A_342 = tpu.memref_squeeze %dma_start3A_341 : memref<1x64x128xf32, #tpu.memory_space<hbm>> -> memref<64x128xf32, #tpu.memory_space<hbm>>
      %dma_start3A_343 = arith.constant 0 : i32
      %dma_start3A_344 = arith.constant 0 : i32
      %dma_start3A_345 = tpu.memref_slice %arg7[%dma_start3A_330, %dma_start3A_343, %dma_start3A_344] : memref<2x64x128xf32, #tpu.memory_space<vmem>> -> memref<1x64x128xf32, #tpu.memory_space<vmem>>
      %dma_start3A_346 = tpu.memref_squeeze %dma_start3A_345 : memref<1x64x128xf32, #tpu.memory_space<vmem>> -> memref<64x128xf32, #tpu.memory_space<vmem>>
      tpu.enqueue_dma source(%dma_start3A_346 : memref<64x128xf32, #tpu.memory_space<vmem>>) target(%dma_start3A_342 : memref<64x128xf32, #tpu.memory_space<hbm>>) target_semaphore(%arg10 : memref<!tpu.dma_semaphore, #tpu.memory_space<semaphore_mem>>)
    }
    %scan3A_79 = arith.constant 16 : i32
    %add3A_80 = arith.constant 32 : i32
    %add3A_81 = arith.addi %mul3A_2, %add3A_80 : i32
    %sub3A = arith.constant 2 : i32
    %sub3A_82 = arith.subi %add3A_81, %sub3A : i32
    %add3A_83 = arith.constant 0 : i32
    %add3A_84 = arith.addi %sub3A_82, %add3A_83 : i32
    %dma_wait3A = arith.constant 0 : i32
    %dma_wait3A_85 = arith.constant 0 : i32
    %dma_wait3A_86 = arith.constant 0 : i32
    %dma_wait3A_87 = tpu.memref_slice %arg7[%dma_wait3A, %dma_wait3A_85, %dma_wait3A_86] : memref<2x64x128xf32, #tpu.memory_space<vmem>> -> memref<1x64x128xf32, #tpu.memory_space<vmem>>
    %dma_wait3A_88 = tpu.memref_squeeze %dma_wait3A_87 : memref<1x64x128xf32, #tpu.memory_space<vmem>> -> memref<64x128xf32, #tpu.memory_space<vmem>>
    %dma_wait3A_89 = arith.constant 0 : i32
    %dma_wait3A_90 = arith.constant 0 : i32
    %dma_wait3A_91 = tpu.memref_slice %arg4[%add3A_84, %dma_wait3A_89, %dma_wait3A_90] : memref<1024x64x128xf32, #tpu.memory_space<hbm>> -> memref<1x64x128xf32, #tpu.memory_space<hbm>>
    %dma_wait3A_92 = tpu.memref_squeeze %dma_wait3A_91 : memref<1x64x128xf32, #tpu.memory_space<hbm>> -> memref<64x128xf32, #tpu.memory_space<hbm>>
    %dma_wait3A_93 = arith.constant 0 : i32
    %dma_wait3A_94 = arith.constant 0 : i32
    %dma_wait3A_95 = tpu.memref_slice %arg4[%add3A_84, %dma_wait3A_93, %dma_wait3A_94] : memref<1024x64x128xf32, #tpu.memory_space<hbm>> -> memref<1x64x128xf32, #tpu.memory_space<hbm>>
    %dma_wait3A_96 = tpu.memref_squeeze %dma_wait3A_95 : memref<1x64x128xf32, #tpu.memory_space<hbm>> -> memref<64x128xf32, #tpu.memory_space<hbm>>
    %dma_wait3A_97 = arith.constant 0 : i32
    %dma_wait3A_98 = arith.constant 0 : i32
    %dma_wait3A_99 = tpu.memref_slice %arg7[%dma_wait3A, %dma_wait3A_97, %dma_wait3A_98] : memref<2x64x128xf32, #tpu.memory_space<vmem>> -> memref<1x64x128xf32, #tpu.memory_space<vmem>>
    %dma_wait3A_100 = tpu.memref_squeeze %dma_wait3A_99 : memref<1x64x128xf32, #tpu.memory_space<vmem>> -> memref<64x128xf32, #tpu.memory_space<vmem>>
    tpu.wait_dma2 semaphore(%arg10 : memref<!tpu.dma_semaphore, #tpu.memory_space<semaphore_mem>>) src(%dma_wait3A_100 : memref<64x128xf32, #tpu.memory_space<vmem>>) dst(%dma_wait3A_96 : memref<64x128xf32, #tpu.memory_space<hbm>>)
    %add3A_101 = arith.constant 32 : i32
    %add3A_102 = arith.addi %mul3A_2, %add3A_101 : i32
    %sub3A_103 = arith.constant 2 : i32
    %sub3A_104 = arith.subi %add3A_102, %sub3A_103 : i32
    %add3A_105 = arith.constant 1 : i32
    %add3A_106 = arith.addi %sub3A_104, %add3A_105 : i32
    %dma_wait3A_107 = arith.constant 1 : i32
    %dma_wait3A_108 = arith.constant 0 : i32
    %dma_wait3A_109 = arith.constant 0 : i32
    %dma_wait3A_110 = tpu.memref_slice %arg7[%dma_wait3A_107, %dma_wait3A_108, %dma_wait3A_109] : memref<2x64x128xf32, #tpu.memory_space<vmem>> -> memref<1x64x128xf32, #tpu.memory_space<vmem>>
    %dma_wait3A_111 = tpu.memref_squeeze %dma_wait3A_110 : memref<1x64x128xf32, #tpu.memory_space<vmem>> -> memref<64x128xf32, #tpu.memory_space<vmem>>
    %dma_wait3A_112 = arith.constant 0 : i32
    %dma_wait3A_113 = arith.constant 0 : i32
    %dma_wait3A_114 = tpu.memref_slice %arg4[%add3A_106, %dma_wait3A_112, %dma_wait3A_113] : memref<1024x64x128xf32, #tpu.memory_space<hbm>> -> memref<1x64x128xf32, #tpu.memory_space<hbm>>
    %dma_wait3A_115 = tpu.memref_squeeze %dma_wait3A_114 : memref<1x64x128xf32, #tpu.memory_space<hbm>> -> memref<64x128xf32, #tpu.memory_space<hbm>>
    %dma_wait3A_116 = arith.constant 0 : i32
    %dma_wait3A_117 = arith.constant 0 : i32
    %dma_wait3A_118 = tpu.memref_slice %arg4[%add3A_106, %dma_wait3A_116, %dma_wait3A_117] : memref<1024x64x128xf32, #tpu.memory_space<hbm>> -> memref<1x64x128xf32, #tpu.memory_space<hbm>>
    %dma_wait3A_119 = tpu.memref_squeeze %dma_wait3A_118 : memref<1x64x128xf32, #tpu.memory_space<hbm>> -> memref<64x128xf32, #tpu.memory_space<hbm>>
    %dma_wait3A_120 = arith.constant 0 : i32
    %dma_wait3A_121 = arith.constant 0 : i32
    %dma_wait3A_122 = tpu.memref_slice %arg7[%dma_wait3A_107, %dma_wait3A_120, %dma_wait3A_121] : memref<2x64x128xf32, #tpu.memory_space<vmem>> -> memref<1x64x128xf32, #tpu.memory_space<vmem>>
    %dma_wait3A_123 = tpu.memref_squeeze %dma_wait3A_122 : memref<1x64x128xf32, #tpu.memory_space<vmem>> -> memref<64x128xf32, #tpu.memory_space<vmem>>
    tpu.wait_dma2 semaphore(%arg10 : memref<!tpu.dma_semaphore, #tpu.memory_space<semaphore_mem>>) src(%dma_wait3A_123 : memref<64x128xf32, #tpu.memory_space<vmem>>) dst(%dma_wait3A_119 : memref<64x128xf32, #tpu.memory_space<hbm>>)
    return
  }
}

module attributes {stable_mosaic.version = 14 : i64} {
  func.func @_repack_body(%arg0: i32, %arg1: memref<3x16x16x128xi32, #tpu.memory_space<vmem>>, %arg2: memref<768x128xi32, #tpu.memory_space<vmem>>) attributes {dimension_semantics = [#tpu.dimension_semantics<arbitrary>], iteration_bounds = array<i64: 8>, scalar_prefetch = 0 : i64, scratch_operands = 0 : i64, tpu.core_type = #tpu.core_type<tc>, window_params = [{transform_indices = @transform_0, window_bounds = array<i64: 3, 16, 16, 128>}, {transform_indices = @transform_1, window_bounds = array<i64: 768, 128>}]} {
    %get3A = arith.constant 0 : index
    %get3A_0 = arith.constant 0 : index
    %get3A_1 = arith.constant 0 : index
    %get3A_2 = arith.constant 0 : index
    %get3A_3 = vector.load %arg1[%get3A, %get3A_0, %get3A_1, %get3A_2] : memref<3x16x16x128xi32, #tpu.memory_space<vmem>>, vector<3x16x16x128xi32>
    %reshape3A = vector.shape_cast %get3A_3 : vector<3x16x16x128xi32> to vector<768x128xi32>
    %transpose3A = tpu.transpose %reshape3A, [1, 0] : vector<768x128xi32> -> vector<128x768xi32>
    %reshape3A_4 = vector.shape_cast %transpose3A : vector<128x768xi32> to vector<768x128xi32>
    %iota3A = tpu.iota {dimensions = array<i32: 0>} : vector<768x128xi32>
    %jit3A = arith.constant 6 : i32
    %eq3A = arith.constant 0 : i32
    %eq3A_5 = arith.cmpi eq, %jit3A, %eq3A : i32
    %jit3A_6 = arith.constant 1 : i32
    %select_n3A = arith.select %eq3A_5, %jit3A_6, %jit3A : i32
    %rem3A = vector.broadcast %select_n3A : i32 to vector<768x128xi32>
    %rem3A_7 = arith.remsi %iota3A, %rem3A : vector<768x128xi32>
    %ne3A = arith.constant 0 : i32
    %ne3A_8 = vector.broadcast %ne3A : i32 to vector<768x128xi32>
    %ne3A_9 = arith.cmpi ne, %rem3A_7, %ne3A_8 : vector<768x128xi32>
    %lt3A = arith.constant 0 : i32
    %lt3A_10 = vector.broadcast %lt3A : i32 to vector<768x128xi32>
    %lt3A_11 = arith.cmpi slt, %rem3A_7, %lt3A_10 : vector<768x128xi32>
    %lt3A_12 = arith.constant 0 : i32
    %lt3A_13 = arith.cmpi slt, %select_n3A, %lt3A_12 : i32
    %ne3A_14 = vector.broadcast %lt3A_13 : i1 to vector<768x128xi1>
    %ne3A_15 = vector.broadcast %ne3A_14 : vector<768x128xi1> to vector<768x128xi1>
    %ne3A_16 = arith.xori %lt3A_11, %ne3A_15 : vector<768x128xi1>
    %and3A = arith.andi %ne3A_16, %ne3A_9 : vector<768x128xi1>
    %add3A = vector.broadcast %select_n3A : i32 to vector<768x128xi32>
    %add3A_17 = arith.addi %rem3A_7, %add3A : vector<768x128xi32>
    %select_n3A_18 = arith.select %and3A, %add3A_17, %rem3A_7 : vector<768x128xi1>, vector<768x128xi32>
    %jit3A_19 = arith.constant 2 : i32
    %div3A = vector.broadcast %jit3A_19 : i32 to vector<768x128xi32>
    %div3A_20 = arith.divsi %select_n3A_18, %div3A : vector<768x128xi32>
    %sign3A = arith.constant 0 : i32
    %sign3A_21 = vector.broadcast %sign3A : i32 to vector<768x128xi32>
    %sign3A_22 = arith.cmpi sgt, %select_n3A_18, %sign3A_21 : vector<768x128xi32>
    %sign3A_23 = arith.extui %sign3A_22 : vector<768x128xi1> to vector<768x128xi32>
    %sign3A_24 = arith.constant 0 : i32
    %sign3A_25 = vector.broadcast %sign3A_24 : i32 to vector<768x128xi32>
    %sign3A_26 = arith.cmpi slt, %select_n3A_18, %sign3A_25 : vector<768x128xi32>
    %sign3A_27 = arith.extui %sign3A_26 : vector<768x128xi1> to vector<768x128xi32>
    %sign3A_28 = arith.subi %sign3A_23, %sign3A_27 : vector<768x128xi32>
    %sign3A_29 = arith.constant 0 : i32
    %sign3A_30 = arith.cmpi sgt, %jit3A_19, %sign3A_29 : i32
    %sign3A_31 = arith.extui %sign3A_30 : i1 to i32
    %sign3A_32 = arith.constant 0 : i32
    %sign3A_33 = arith.cmpi slt, %jit3A_19, %sign3A_32 : i32
    %sign3A_34 = arith.extui %sign3A_33 : i1 to i32
    %sign3A_35 = arith.subi %sign3A_31, %sign3A_34 : i32
    %ne3A_36 = vector.broadcast %sign3A_35 : i32 to vector<768x128xi32>
    %ne3A_37 = arith.cmpi ne, %sign3A_28, %ne3A_36 : vector<768x128xi32>
    %rem3A_38 = vector.broadcast %jit3A_19 : i32 to vector<768x128xi32>
    %rem3A_39 = arith.remsi %select_n3A_18, %rem3A_38 : vector<768x128xi32>
    %ne3A_40 = arith.constant 0 : i32
    %ne3A_41 = vector.broadcast %ne3A_40 : i32 to vector<768x128xi32>
    %ne3A_42 = arith.cmpi ne, %rem3A_39, %ne3A_41 : vector<768x128xi32>
    %and3A_43 = arith.andi %ne3A_37, %ne3A_42 : vector<768x128xi1>
    %sub3A = arith.constant 1 : i32
    %sub3A_44 = vector.broadcast %sub3A : i32 to vector<768x128xi32>
    %sub3A_45 = arith.subi %div3A_20, %sub3A_44 : vector<768x128xi32>
    %select_n3A_46 = arith.select %and3A_43, %sub3A_45, %div3A_20 : vector<768x128xi1>, vector<768x128xi32>
    %mul3A = arith.constant 100000 : i32
    %mul3A_47 = vector.broadcast %mul3A : i32 to vector<768x128xi32>
    %mul3A_48 = arith.muli %select_n3A_46, %mul3A_47 : vector<768x128xi32>
    %add3A_49 = arith.addi %reshape3A_4, %mul3A_48 : vector<768x128xi32>
    %swap3A = arith.constant 0 : index
    %swap3A_50 = arith.constant 0 : index
    %swap3A_51 = vector.load %arg2[%swap3A, %swap3A_50] : memref<768x128xi32, #tpu.memory_space<vmem>>, vector<768x128xi32>
    tpu.vector_store %arg2[%swap3A, %swap3A_50], %add3A_49 {strides = array<i32>} : memref<768x128xi32, #tpu.memory_space<vmem>>, vector<768x128xi32>,
    return
  }
  func.func @transform_0(%arg0: i32) -> (i32, i32, i32, i32) {
    %c0_i32 = arith.constant 0 : i32
    %c0_i32_0 = arith.constant 0 : i32
    %c0_i32_1 = arith.constant 0 : i32
    %c0_i32_2 = arith.constant 0 : i32
    return %c0_i32, %c0_i32_0, %c0_i32_1, %arg0 : i32, i32, i32, i32
  }
  func.func @transform_1(%arg0: i32) -> (i32, i32) {
    %c0_i32 = arith.constant 0 : i32
    %c0_i32_0 = arith.constant 0 : i32
    return %arg0, %c0_i32 : i32, i32
  }
}

</mosaic_0001>

<sc_bundles>
// kernel: _bow_embed.4.cloned.1.call-start
scs
__scs_entry_jumppad:
0x0: {  	(pc) =	sbr.rel $0x88, $3  }
0x1: {  	(tag) =	ssettag $0x0;
	lr =	simm.s32 $0x1  }
0x2: {  	[smem:$0x3F9F] =	sst lr;
	_ =	strace $0xD0000000  }
0x3: {  	_ = 	snop  }
0x4: {  	_ = 	snop  }
0x5: {  	_ = 	snop  }
0x6: {  	_ = 	snop  }
0x7: {  	_ = 	snop  }
__scs_overlays_trampoline_lowered:
0x8: {  	[smem:$0x3FAE] =	sst s0  }
0x9: {  	[smem:$0x3FAF] =	sst s1  }
0xa: {  	[smem:$0x3FB0] =	sst s2  }
0xb: {  	[smem:$0x3FB1] =	sst s3  }
0xc: {  	[smem:$0x3FB2] =	sst s4  }
0xd: {  	[smem:$0x3FB3] =	sst s5  }
0xe: {  	[smem:$0x3FB4] =	sst s6  }
0xf: {  	[smem:$0x3FB5] =	sst s7  }
0x10: {  	[smem:$0x3FB6] =	sst s8  }
0x11: {  	[smem:$0x3FB7] =	sst s9;
	s0 =	simm.s32 @!p0 $0x0  }
0x12: {  	s1 =	sld [smem:$0x3F9D];
	s0 =	simm.s32 @p0 $0x1  }
0x13: {  	[smem:$0x3FB8] =	sst s0;
	s0 =	simm.s32 @!p1 $0x0  }
0x14: {  	s2 =	sld [smem:$0x3F9C];
	s0 =	simm.s32 @p1 $0x1  }
0x15: {  	[smem:$0x3FB9] =	sst s0;
	s0 =	simm.s32 @!p2 $0x0  }
0x16: {  	s3 =	sld [smem:$0x3FDB];
	s0 =	simm.s32 @p2 $0x1  }
0x17: {  	s4 =	simm.s32 $0x1BF5;
	[smem:$0x3FBB] =	sst s0  }
0x18: {  	s0 =	sld [smem:$0x3F9E];
	_ =	swait.ge [sflag:s4], $0x0  }
0x19: {  	s7 =	sld [smem:$0x3F9F]  }
0x1a: {  	s8 =	sadd.s32 $0xFFFFE003, lr  }
0x1b: {  	s9 =	sadd.s32 $0xFFFFFEF7, lr;
	s5 =	simm.s32 $0xFFFFFFFF;
	p2 =	slt.u32 s8, $0xFFFFF086  }
0x1c: {  	p1 =	slt.u32 s9, $0xF7A;
	s5 =	simm.s32 @!p2 $0x0  }
0x1d: {  	s5 =	simm.s32 @p1 $0x1;
	p0 =	seq.s32 s7, s2  }
0x1e: {  	s7 =	smul.u32 @!p0 $0xF7A, s2;
	p2 =	seq.s32 @!p0 s5, $0x0  }
0x1f: {  	s9 =	smul.u32 $0xF7A, s1;
	s8 =	simm.s32 @!p0 $0x1BF5;
	p2 =	por !p2, p0  }
0x20: {  	[sflag:s8] =	ssyncset.s32 @!p0 $0xFFFFF086;
	s6 =	sadd.s32 @!p0 s3, s7;
	s7 =	simm.s32 @!p0 $0x108  }
0x21: {  	s3 =	sadd.s32 s3, s9;
	s6 =	sadd.s32 @!p0 $0x88, s6;
	s7 =	simm.s32 @p2 $0x1082  }
0x22: {  	[simem:s7], [sflag:s8] =	dma.local @!p0 [hbm:s6], $0xF7A  }
0x23: {  	s9 =	sor.u32 $0xD0000000, s2;
	s6 =	simm.s32 $0x108;
	_ =	swait.ge @!p0 [sflag:s8], $0x0  }
0x24: {  	s3 =	sadd.s32 $0x88, s3;
	s6 =	simm.s32 @!p1 $0x1082;
	[sflag:s4] =	ssyncset.s32 $0xFFFFF086  }
0x25: {  	[simem:s6], [sflag:s4] =	dma.local [hbm:s3], $0xF7A  }
0x26: {  	[smem:$0x3F9F] =	sst s1;
	(tag) =	ssettag s2;
	_ =	strace s9  }
0x27: {  	s1 =	sld [smem:$0x3FAF]  }
0x28: {  	s2 =	sld [smem:$0x3FB0]  }
0x29: {  	s4 =	sld [smem:$0x3FB2]  }
0x2a: {  	p0 =	seq.s32 s5, $0x0;
	s5 =	sld [smem:$0x3FB3]  }
0x2b: {  	s6 =	sld [smem:$0x3FB4]  }
0x2c: {  	s7 =	sld [smem:$0x3FB5]  }
0x2d: {  	s3 =	simm.s32 $0x108;
	s8 =	sld [smem:$0x3FB6]  }
0x2e: {  	s3 =	simm.s32 @!p0 $0x1082;
	s9 =	sld [smem:$0x3FB7]  }
0x2f: {  	lr =	sadd.s32 s0, s3;
	s0 =	sld [smem:$0x3FAE]  }
0x30: {  	s3 =	sld [smem:$0x3FB1]  }
0x31: {  	[smem:$0x3FBA] =	sst s10  }
0x32: {  	s10 =	sld [smem:$0x3FB8];
	_ =	sdelay $0x3  }
0x33: {  	p0 =	seq.s32 s10, $0x1;
	s10 =	sld [smem:$0x3FBA];
	_ =	sdelay $0x3  }
0x34: {  	[smem:$0x3FBA] =	sst s10  }
0x35: {  	s10 =	sld [smem:$0x3FB9];
	_ =	sdelay $0x3  }
0x36: {  	p1 =	seq.s32 s10, $0x1;
	s10 =	sld [smem:$0x3FBA];
	_ =	sdelay $0x3  }
0x37: {  	[smem:$0x3FBA] =	sst s10  }
0x38: {  	s10 =	sld [smem:$0x3FBB]  }
0x39: {  	_ = 	snop;
	(pc) =	sbr.ind lr, $3  }
0x3a: {  	_ = 	snop  }
0x3b: {  	_ = 	snop  }
0x3c: {  	p2 =	seq.s32 s10, $0x1;
	s10 =	sld [smem:$0x3FBA]  }
0x3d: {  	_ =	shalt  }
0x3e: {  	_ =	shalt  }
0x3f: {  	_ =	shalt  }
0x40: {  	_ =	shalt  }
0x41: {  	_ =	shalt  }
0x42: {  	_ =	shalt  }
0x43: {  	_ =	shalt  }
0x44: {  	_ =	shalt  }
0x45: {  	_ =	shalt  }
0x46: {  	_ =	shalt  }
0x47: {  	_ =	shalt  }
0x48: {  	_ =	shalt  }
0x49: {  	_ =	shalt  }
0x4a: {  	_ =	shalt  }
0x4b: {  	_ =	shalt  }
0x4c: {  	_ =	shalt  }
0x4d: {  	_ =	shalt  }
0x4e: {  	_ =	shalt  }
0x4f: {  	_ =	shalt  }
0x50: {  	_ =	shalt  }
0x51: {  	_ =	shalt  }
0x52: {  	_ =	shalt  }
0x53: {  	_ =	shalt  }
0x54: {  	_ =	shalt  }
0x55: {  	_ =	shalt  }
0x56: {  	_ =	shalt  }
0x57: {  	_ =	shalt  }
0x58: {  	_ =	shalt  }
0x59: {  	_ =	shalt  }
0x5a: {  	_ =	shalt  }
0x5b: {  	_ =	shalt  }
0x5c: {  	_ =	shalt  }
0x5d: {  	_ =	shalt  }
0x5e: {  	_ =	shalt  }
0x5f: {  	_ =	shalt  }
0x60: {  	_ =	shalt  }
0x61: {  	_ =	shalt  }
0x62: {  	_ =	shalt  }
0x63: {  	_ =	shalt  }
0x64: {  	_ =	shalt  }
0x65: {  	_ =	shalt  }
0x66: {  	_ =	shalt  }
0x67: {  	_ =	shalt  }
0x68: {  	_ =	shalt  }
0x69: {  	_ =	shalt  }
0x6a: {  	_ =	shalt  }
0x6b: {  	_ =	shalt  }
0x6c: {  	_ =	shalt  }
0x6d: {  	_ =	shalt  }
0x6e: {  	_ =	shalt  }
0x6f: {  	_ =	shalt  }
0x70: {  	_ =	shalt  }
0x71: {  	_ =	shalt  }
0x72: {  	_ =	shalt  }
0x73: {  	_ =	shalt  }
0x74: {  	_ =	shalt  }
0x75: {  	_ =	shalt  }
0x76: {  	_ =	shalt  }
0x77: {  	_ =	shalt  }
0x78: {  	_ =	shalt  }
0x79: {  	_ =	shalt  }
0x7a: {  	_ =	shalt  }
0x7b: {  	_ =	shalt  }
0x7c: {  	_ =	shalt  }
0x7d: {  	_ =	shalt  }
0x7e: {  	_ =	shalt  }
0x7f: {  	_ =	shalt  }
0x80: {  	_ =	shalt  }
0x81: {  	_ =	shalt  }
0x82: {  	_ =	shalt  }
0x83: {  	_ =	shalt  }
0x84: {  	_ =	shalt  }
0x85: {  	_ =	shalt  }
0x86: {  	_ =	shalt  }
0x87: {  	_ =	shalt  }
.Lfunc_end0:
.L_simem_size_0:
called_computation_lowered:
.L_overlay_start_0:
0x88: {  	s2 =	sld [smem:$0x3FD9]  }
0x89: {  	s3 =	sld [smem:$0x3FFE];
	_ =	sdelay $0x1  }
0x8a: {  	s1 =	srdreg.scid  }
0x8b: {  	s0 =	sand.u32 $0x1, s1  }
0x8c: {  	s17 =	sshll.u32 s0, $0xA;
	s2 =	sadd.s32 s3, s2  }
0x8d: {  	s2 =	sadd.s32 s2, s17  }
0x8e: {  	[smem:$0x3FC6] =	sst s2  }
0x8f: {  	_ = 	snop  }
0x90: {  	s2 =	sld [smem:$0x3FD0];
	(tm) =	ssettm $0x1  }
0x91: {  	s18 =	sld [smem:$0x3FFB];
	_ =	sdelay $0x3  }
0x92: {  	_ =	strace s18  }
0x93: {  	s3 =	sld [smem:$0x3FFC];
	_ =	sdelay $0x3  }
0x94: {  	_ =	strace s3  }
0x95: {  	s3 =	sld [smem:$0x3FFD];
	_ =	sdelay $0x3  }
0x96: {  	_ =	strace s3  }
0x97: {  	_ =	strace $0x8FFFFFFF  }
0x98: {  	s19 =	sld [smem:$0x3FDB];
	_ =	sdelay $0x1  }
0x99: {  	s4 =	simm.s32 $_scs_section_size  }
0x9a: {  	s5 =	simm.s32 $_size__tile_overlayer_lowered;
	s6 =	simm.s32 $_tile_overlayer_lowered  }
0x9b: {  	s22 =	simm.s32 $0x1BFF;
	s21 =	sshll.u32 s6, $0x1;
	s3 =	sadd.s32 s4, s19  }
0x9c: {  	s7 =	simm.s32 $0x0;
	s20 =	sshll.u32 s5, $0x1;
	s5 =	sadd.s32 s21, s3  }
0x9d: {  	[timem:s7], [sflag:s22] =	dma.local [hbm:s5], s20  }
0x9e: {  	_ =	swait.ge [sflag:s22], s20  }
0x9f: {  	s4 =	ssub.s32 $0x0, s20;
	[sflag:s22] =	ssyncset.done $0x0  }
0xa0: {  	[sflag:s22] =	ssyncadd.s32 s4;
	_ =	sdelay $0x1  }
0xa1: {  	s23 =	simm.s32 $0x1B8B  }
0xa2: {  	_ =	swait.ge [sflag:s23], $0x1  }
0xa3: {  	[sflag:s23] =	ssyncset.done $0x0  }
0xa4: {  	s25 =	simm.s32 $0x1B8E;
	s24 =	sld [smem:$0x3FFE];
	[sflag:s23] =	ssyncadd.s32 $0xFFFFFFFF  }
0xa5: {  	s26 =	simm.s32 $execute0_lowered;
	[smem:$0x3FD2] =	sst s25  }
0xa6: {  	s5 =	sshll.u32 s26, $0x1;
	_ =	strace $0x80000046;
	[dreg:$0x1] =	wrdreg $0xFFFFFFFF  }
0xa7: {  	s28 =	simm.s32 $_size_execute0_lowered;
	s3 =	sadd.s32 s3, s5;
	[dreg:$0x0] =	wrdreg $0x0  }
0xa8: {  	s5 =	sshll.u32 s28, $0x1;
	[dreg:$0x2] =	wrdreg s3  }
0xa9: {  	[dreg:$0x3] =	wrdreg s5  }
0xaa: {  	[dreg:$0x4] =	wrdreg $0xC0  }
0xab: {  	_ =	task [dreg:s7], $0x5FFFF  }
0xac: {  	[dreg:$0x1] =	wrdreg $0xFFFFFFFF  }
0xad: {  	[dreg:$0x0] =	wrdreg $0x60  }
0xae: {  	[dreg:$0x2] =	wrdreg s24  }
0xaf: {  	[dreg:$0x3] =	wrdreg s2  }
0xb0: {  	[dreg:$0x4] =	wrdreg $0x9  }
0xb1: {  	_ =	task.clear_ibuf [dreg:s7], $0x5FFFF;
	_ =	strace $0x90000046  }
0xb2: {  	s29 =	simm.s32 $0x9;
	_ =	strace $0x80000048  }
0xb3: {  	_ =	swait.ge [sflag:s29], $0x1  }
0xb4: {  	[sflag:s29] =	ssyncadd.s32 $0xFFFFFFFF  }
0xb5: {  	_ =	strace $0x90000048  }
0xb6: {  	_ =	sfence  }
0xb7: {  	s30 =	sld [smem:$0x0];
	_ =	sdelay $0x2  }
0xb8: {  	s31 =	sshll.u32 s1, $0xD;
	s1 =	sshrl.u32 s1, $0x2  }
0xb9: {  	s3 =	sand.u32 $0x4000, s31;
	s1 =	sadd.s32 s1, s30  }
0xba: {  	s0 =	sor.u32 s3, s0;
	s1 =	sshll.u32 s1, $0x11  }
0xbb: {  	s0 =	sor.u32 s1, s0  }
0xbc: {  	s0 =	sadd.s32 $0x8F2B, s0  }
0xbd: {  	[sflag:s0] =	ssyncadd.remote.s32 $0x1  }
0xbe: {  	_ =	sfence.sel $0xFFFF  }
0xbf: {  	[dreg:$0x0] =	wrdreg $0xFFFFFFFF;
	(pc) =	sbr.abs _section_cstart, $3  }
0xc0: {  	[dreg:$0x1] =	wrdreg $0xFFFFFFFF  }
0xc1: {  	_ =	task.clear_ibuf [dreg:s7], $0x2FFFF;
	_ =	strace $0x9FFFFFFF  }
0xc2: {  	(tm) =	ssettm $0x7FFFFFFF  }
0xc3: {  	_ =	shalt  }
tec
execute0_lowered:
.L_overlay_start_1:
0x0: {  	(tag) =	ssettag $0x1  }
0x1: {  	s0 =	rddreg [dreg:$0x0]  }
0x2: {  	s2 =	rddreg [dreg:$0x1]  }
0x3: {  	s1 =	srdreg.scid;
	s4 =	stileid.u32;
	s3 =	simm.s32 $0x0  }
0x4: {  	s9 =	simm.s32 $0x4;
	s10 =	simm.s32 $0x80;
	s11 =	simm.s32 $0x600  }
0x5: {  	s21 =	simm.s32 $0x300;
	s22 =	simm.s32 $0x6600;
	s23 =	simm.s32 $0x380  }
0x6: {  	s24 =	simm.s32 $0x7600;
	s28 =	simm.s32 $0x480;
	s29 =	simm.s32 $0x9600  }
0x7: {  	s30 =	simm.s32 $0x500;
	s31 =	simm.s32 $0xA600;
	s12 =	simm.s32 $0x1  }
0x8: {  	s13 =	simm.s32 $0xC600;
	s14 =	simm.s32 $0x2;
	s15 =	simm.s32 $0xE600  }
0x9: {  	s16 =	simm.s32 $0x0;
	s1 =	sand.u32 $0x1, s1;
	s4 =	sshll.u32 s4, $0x1  }
0xa: {  	[smem:$0x7FF] =	sst s3;
	s6 =	ssub.s32 $0x2, s1;
	s1 =	sor.u32 s1, s4  }
0xb: {  	s5 =	sadd.s32 $0x494600, s0;
	s7 =	sshrl.u32 s6, $0x1;
	s8 =	smul.u32 $0xC00, s1  }
0xc: {  	v0 =	vlaneseq.u32;
	_ =	strace $0x80000047;
	s4 =	sadd.s32 $0x800, s0;
	s25 =	ssub.s32 s6, s7  }
0xd: {  	v2 =	vmul.u32 $0x20, v0;
	s6 =	sshll.u32 s1, $0x5;
	s1 =	simm.s32 $0xB600;
	s26 =	sadd.s32 s4, s8  }
0xe: {  	s0 =	smax.u32 s25, $0x1;
	s25 =	simm.s32 $0x400;
	[dreg:$0x3] =	wrdreg s26  }
0xf: {  	v3 =	vand.u32 $0x7, v0;
	v1 =	vor.u32 $0x4000, v2;
	v2 =	vor.u32 $0x2000, v2;
	[dreg:$0x4] =	wrdreg s0;
	s26 =	simm.s32 $0x8600;
	s0 =	simm.s32 $0x580  }
.LBB2_1:
0x10: {  	[dreg:$0x5] =	wrdreg s16  }
0x11: {  	s7 =	rddreg [dreg:$0x3]  }
0x12: {  	[tilespmem:s3], [sflag:$0x4] =	stream.linear.gather [hbm4b:s7+s3], $0x300, $0x38;
	[tilespmem:$0x10600] =	vst v63  }
0x13: {  	_ =	swait.ge [sflag:s9], $0x300  }
0x14: {  	[sflag:s9] =	ssyncset.done $0x0  }
0x15: {  	[sflag:s9] =	ssyncadd.s32 $0xFFFFFD00  }
0x16: {  	[tilespmem:s11], [sflag:$0x1] =	stream.indirect.gather [hbm4b:s5+s10], $0x20, s3, s10, $0xb8;
	[tilespmem:$0x10600] =	vst v63  }
0x17: {  	s19 =	simm.s32 $0x1600  }
0x18: {  	[tilespmem:s19], [sflag:$0x1] =	stream.indirect.gather [hbm4b:s5+s10], $0x20, s10, s10, $0xb8;
	[tilespmem:$0x10600] =	vst v63  }
0x19: {  	s20 =	simm.s32 $0x100;
	s8 =	simm.s32 $0x2600  }
0x1a: {  	[tilespmem:s8], [sflag:$0x1] =	stream.indirect.gather [hbm4b:s5+s10], $0x20, s20, s10, $0xb8;
	[tilespmem:$0x10600] =	vst v63  }
0x1b: {  	s16 =	simm.s32 $0x3600;
	s8 =	simm.s32 $0x180  }
0x1c: {  	[tilespmem:s16], [sflag:$0x1] =	stream.indirect.gather [hbm4b:s5+s10], $0x20, s8, s10, $0xb8;
	[tilespmem:$0x10600] =	vst v63  }
0x1d: {  	s17 =	simm.s32 $0x200;
	s18 =	simm.s32 $0x4600  }
0x1e: {  	[tilespmem:s18], [sflag:$0x1] =	stream.indirect.gather [hbm4b:s5+s10], $0x20, s17, s10, $0xb8;
	[tilespmem:$0x10600] =	vst v63  }
0x1f: {  	s19 =	simm.s32 $0x280;
	s20 =	simm.s32 $0x5600;
	s18 =	simm.s32 $0x0  }
0x20: {  	[tilespmem:s20], [sflag:$0x1] =	stream.indirect.gather [hbm4b:s5+s10], $0x20, s19, s10, $0xb8;
	[tilespmem:$0x10600] =	vst v63  }
.LBB2_2:
0x21: {  	s7 =	sshll.u32 s18, $0x1  }
0x22: {  	s19 =	sor.u32 s6, s7  }
0x23: {  	s7 =	smul.u32 $0x300, s19;
	_ =	sdelay $0x1  }
0x24: {  	s7 =	sshrl.u32 s7, $0x3  }
0x25: {  	s7 =	sadd.s32 s4, s7  }
0x26: {  	s7 =	sadd.s32 $0x60, s7  }
0x27: {  	[tilespmem:s21], [sflag:$0x4] =	stream.linear.gather [hbm4b:s7+s3], $0x300, $0x38;
	[tilespmem:$0x10600] =	vst v63  }
0x28: {  	_ =	swait.ge [sflag:s9], $0x300  }
0x29: {  	[sflag:s9] =	ssyncset.done $0x0  }
0x2a: {  	[sflag:s9] =	ssyncadd.s32 $0xFFFFFD00  }
0x2b: {  	[tilespmem:s22], [sflag:$0x2] =	stream.indirect.gather [hbm4b:s5+s10], $0x20, s21, s10, $0xb8;
	[tilespmem:$0x10600] =	vst v63  }
0x2c: {  	_ = 	snop  }
0x2d: {  	[tilespmem:s24], [sflag:$0x2] =	stream.indirect.gather [hbm4b:s5+s10], $0x20, s23, s10, $0xb8;
	[tilespmem:$0x10600] =	vst v63  }
0x2e: {  	_ = 	snop  }
0x2f: {  	[tilespmem:s26], [sflag:$0x2] =	stream.indirect.gather [hbm4b:s5+s10], $0x20, s25, s10, $0xb8;
	[tilespmem:$0x10600] =	vst v63  }
0x30: {  	_ = 	snop  }
0x31: {  	[tilespmem:s29], [sflag:$0x2] =	stream.indirect.gather [hbm4b:s5+s10], $0x20, s28, s10, $0xb8;
	[tilespmem:$0x10600] =	vst v63  }
0x32: {  	_ = 	snop  }
0x33: {  	[tilespmem:s31], [sflag:$0x2] =	stream.indirect.gather [hbm4b:s5+s10], $0x20, s30, s10, $0xb8;
	[tilespmem:$0x10600] =	vst v63  }
0x34: {  	_ = 	snop  }
0x35: {  	[tilespmem:s1], [sflag:$0x2] =	stream.indirect.gather [hbm4b:s5+s10], $0x20, s0, s10, $0xb8;
	[tilespmem:$0x10600] =	vst v63  }
0x36: {  	_ =	swait.ge [sflag:s12], $0x1000  }
0x37: {  	[sflag:s12] =	ssyncset.done $0x0  }
0x38: {  	[sflag:s12] =	ssyncadd.s32 $0xFFFFF000  }
0x39: {  	_ =	swait.ge [sflag:s12], $0x1000  }
0x3a: {  	[sflag:s12] =	ssyncset.done $0x0  }
0x3b: {  	[sflag:s12] =	ssyncadd.s32 $0xFFFFF000  }
0x3c: {  	_ =	swait.ge [sflag:s12], $0x1000  }
0x3d: {  	[sflag:s12] =	ssyncset.done $0x0  }
0x3e: {  	[sflag:s12] =	ssyncadd.s32 $0xFFFFF000  }
0x3f: {  	_ =	swait.ge [sflag:s12], $0x1000  }
0x40: {  	s20 =	simm.s32 $0x0;
	[sflag:s12] =	ssyncset.done $0x0  }
0x41: {  	s8 =	simm.s32 $0x0;
	s7 =	sand.u32 $0xF0, s20;
	[sflag:s12] =	ssyncadd.s32 $0xFFFFF000  }
0x42: {  	s8 =	sand.u32 $0x1F, s8;
	v4 =	vmov s7;
	_ =	swait.ge [sflag:s12], $0x1000  }
0x43: {  	v7 =	vadd.s32 s8, v0;
	v5 =	vshll.u32 v4, $0x5;
	[sflag:s12] =	ssyncset.done $0x0  }
0x44: {  	v6 =	vand.u32 $0x18, v7;
	v4 =	vor.u32 s7, v0;
	v8 =	vor.u32 v2, v5;
	[sflag:s12] =	ssyncadd.s32 $0xFFFFF000  }
0x45: {  	v9 =	vand.u32 $0x7, v7;
	v10 =	vshll.u32 v4, $0x5;
	v8 =	vor.u32 v6, v8;
	_ =	swait.ge [sflag:s12], $0x1000  }
0x46: {  	p0 =	seq.s32 s18, $0x0;
	v5 =	vor.u32 v1, v5;
	v10 =	vor.u32 v6, v10;
	v8 =	vor.u32 v9, v8;
	[sflag:s12] =	ssyncset.done $0x0  }
0x47: {  	s7 =	simm.s32 @!p0 $0x3;
	v11 =	vor.u32 v6, v5;
	v10 =	vor.u32 v9, v10;
	[sflag:s12] =	ssyncadd.s32 $0xFFFFF000  }
0x48: {  	v9 =	vor.u32 v9, v11;
	_ =	swait.ge @!p0 [sflag:s7], $0x2000  }
0x49: {  	s20 =	simm.s32 $0x1;
	[sflag:s7] =	ssyncset.done @!p0 $0x0  }
0x4a: {  	s16 =	sand.u32 $0x1F, s20;
	[sflag:s7] =	ssyncadd.s32 @!p0 $0xFFFFE000  }
0x4b: {  	s17 =	simm.s32 $0x0;
	v12 =	vshll.u32 v7, $0x1;
	v5 =	vadd.s32 s16, v0;
	v6 =	vld.idx.msk [tilespmem:v8+s11+$0x0], $0xffff  }
0x4c: {  	s8 =	sand.u32 $0xF0, s17;
	s16 =	simm.s32 $0x0;
	v7 =	vand.u32 $0x7, v5;
	s7 =	simm.s32 $0x2;
	v8 =	vld.idx.msk [tilespmem:v10+s11+$0x0], $0xffff;
	v10 =	vand.u32 $0x3E, v12  }
.LBB2_3:
0x4d: {  	p1 =	sne.s32 s7, $0x1FF;
	v11 =	vmov s8;
	v12 =	vand.u32 $0x18, v5;
	v9 =	vld.idx.msk [tilespmem:v9+s11+$0x0], $0xffff;
	v10 =	vadd.s32 s16, v10;
	s16 =	smov.u32 s20;
	s20 =	smov.u32 s7  }
0x4e: {  	v13 =	vand.u32 $0x78, v4;
	v11 =	vshll.u32 v11, $0x5;
	v10 =	vshll.u32 v10, $0x7  }
0x4f: {  	v4 =	vor.u32 s8, v0;
	v14 =	vor.u32 v2, v11;
	v10 =	vor.u32 v13, v10  }
0x50: {  	v13 =	vshll.u32 v4, $0x5;
	v14 =	vor.u32 v12, v14;
	v10 =	vor.u32 v3, v10  }
0x51: {  	v13 =	vor.u32 v12, v13;
	v6 =	vadd.f32 v6, v8;
	v14 =	vor.u32 v7, v14  }
0x52: {  	v11 =	vor.u32 v1, v11;
	v8 =	vor.u32 v7, v13  }
0x53: {  	v11 =	vor.u32 v12, v11;
	v6 =	vadd.f32 v9, v6  }
.Ltmp0:
0x54: {  	v9 =	vor.u32 v7, v11;
	(pc) =	sbr.rel @p1 .LBB2_3-.Ltmp0, $4  }
0x55: {  	[tilespmem:v10+s13+$0x0] =	vst.idx.msk $0xffff, v6  }
0x56: {  	s8 =	sand.u32 $0x1F, s7;
	v6 =	vld.idx.msk [tilespmem:v14+s11+$0x0], $0xffff  }
0x57: {  	s17 =	sshrl.u32 s7, $0x1;
	v10 =	vshll.u32 v5, $0x1;
	v5 =	vadd.s32 s8, v0;
	v8 =	vld.idx.msk [tilespmem:v8+s11+$0x0], $0xffff  }
0x58: {  	s7 =	sadd.s32 $0x1, s7;
	s16 =	sshrl.u32 s16, $0x8;
	s8 =	sand.u32 $0xF0, s17;
	v7 =	vand.u32 $0x7, v5;
	v10 =	vand.u32 $0x3E, v10  }
0x59: {  	_ =	sdelay $0x2  }
0x5a: {  	v11 =	vmov s8;
	v12 =	vand.u32 $0x18, v5;
	v10 =	vadd.s32 s16, v10  }
0x5b: {  	v9 =	vld.idx.msk [tilespmem:v9+s11+$0x0], $0xffff;
	v4 =	vand.u32 $0x78, v4;
	v11 =	vshll.u32 v11, $0x5;
	v10 =	vshll.u32 v10, $0x7  }
0x5c: {  	v13 =	vor.u32 s8, v0;
	v14 =	vor.u32 v2, v11;
	v4 =	vor.u32 v4, v10  }
0x5d: {  	v10 =	vshll.u32 v13, $0x5;
	v14 =	vor.u32 v12, v14;
	v4 =	vor.u32 v3, v4  }
0x5e: {  	v10 =	vor.u32 v12, v10;
	v6 =	vadd.f32 v6, v8;
	v14 =	vor.u32 v7, v14  }
0x5f: {  	v8 =	vor.u32 v7, v10;
	v10 =	vor.u32 v1, v11  }
0x60: {  	v10 =	vor.u32 v12, v10;
	v6 =	vadd.f32 v9, v6  }
0x61: {  	v7 =	vor.u32 v7, v10  }
0x62: {  	[tilespmem:v4+s13+$0x0] =	vst.idx.msk $0xffff, v6  }
0x63: {  	v5 =	vshll.u32 v5, $0x1;
	v4 =	vld.idx.msk [tilespmem:v14+s11+$0x0], $0xffff  }
0x64: {  	s7 =	sshrl.u32 s20, $0x8;
	v5 =	vand.u32 $0x3E, v5;
	v6 =	vld.idx.msk [tilespmem:v8+s11+$0x0], $0xffff  }
0x65: {  	v5 =	vadd.s32 s7, v5  }
0x66: {  	v5 =	vshll.u32 v5, $0x7;
	v8 =	vand.u32 $0x78, v13;
	v7 =	vld.idx.msk [tilespmem:v7+s11+$0x0], $0xffff  }
0x67: {  	v5 =	vor.u32 v8, v5  }
0x68: {  	v5 =	vor.u32 v3, v5  }
0x69: {  	v4 =	vadd.f32 v4, v6;
	_ =	sdelay $0x1  }
0x6a: {  	v4 =	vadd.f32 v7, v4  }
0x6b: {  	s16 =	sshll.u32 s19, $0xA;
	s19 =	sor.u32 $0x1, s19;
	p1 =	seq.s32 s18, $0xF  }
0x6c: {  	s8 =	smul.u32 @!p1 $0x300, s19;
	s7 =	sadd.s32 s2, s16;
	[tilespmem:v5+s13+$0x0] =	vst.idx.msk $0xffff, v4  }
0x6d: {  	[hbm4b:s7+s3] =	stream.linear.scatter [tilespmem:s13], [sflag:$0x3], $0x2000, $0x38;
	[tilespmem:$0x10600] =	vst v63  }
0x6e: {  	s7 =	sshrl.u32 @!p1 s8, $0x3  }
0x6f: {  	s7 =	sadd.s32 @!p1 s4, s7  }
0x70: {  	s8 =	simm.s32 @!p1 $0x0;
	s7 =	sadd.s32 @!p1 $0x60, s7  }
0x71: {  	[tilespmem:s8], [sflag:$0x4] =	stream.linear.gather @!p1 [hbm4b:s7+s8], $0x300, $0x38;
	[tilespmem:$0x10600] =	vst v63  }
0x72: {  	s7 =	simm.s32 @!p1 $0x4  }
0x73: {  	_ =	swait.ge @!p1 [sflag:s7], $0x300  }
0x74: {  	[sflag:s7] =	ssyncset.done @!p1 $0x0  }
0x75: {  	s16 =	simm.s32 @!p1 $0x600;
	[sflag:s7] =	ssyncadd.s32 @!p1 $0xFFFFFD00;
	s7 =	simm.s32 @!p1 $0x80  }
0x76: {  	[tilespmem:s16], [sflag:$0x1] =	stream.indirect.gather @!p1 [hbm4b:s5+s7], $0x20, s8, s7, $0xb8;
	[tilespmem:$0x10600] =	vst v63  }
0x77: {  	s8 =	simm.s32 @!p1 $0x1600  }
0x78: {  	[tilespmem:s8], [sflag:$0x1] =	stream.indirect.gather @!p1 [hbm4b:s5+s7], $0x20, s7, s7, $0xb8;
	[tilespmem:$0x10600] =	vst v63  }
0x79: {  	s16 =	simm.s32 @!p1 $0x2600;
	s8 =	simm.s32 @!p1 $0x100  }
0x7a: {  	[tilespmem:s16], [sflag:$0x1] =	stream.indirect.gather @!p1 [hbm4b:s5+s7], $0x20, s8, s7, $0xb8;
	[tilespmem:$0x10600] =	vst v63  }
0x7b: {  	s8 =	simm.s32 @!p1 $0x180;
	s16 =	simm.s32 @!p1 $0x3600  }
0x7c: {  	[tilespmem:s16], [sflag:$0x1] =	stream.indirect.gather @!p1 [hbm4b:s5+s7], $0x20, s8, s7, $0xb8;
	[tilespmem:$0x10600] =	vst v63  }
0x7d: {  	s8 =	simm.s32 @!p1 $0x200;
	s16 =	simm.s32 @!p1 $0x4600  }
0x7e: {  	[tilespmem:s16], [sflag:$0x1] =	stream.indirect.gather @!p1 [hbm4b:s5+s7], $0x20, s8, s7, $0xb8;
	[tilespmem:$0x10600] =	vst v63  }
0x7f: {  	s8 =	simm.s32 @!p1 $0x280;
	s16 =	simm.s32 @!p1 $0x5600  }
0x80: {  	[tilespmem:s16], [sflag:$0x1] =	stream.indirect.gather @!p1 [hbm4b:s5+s7], $0x20, s8, s7, $0xb8;
	[tilespmem:$0x10600] =	vst v63  }
0x81: {  	_ =	swait.ge [sflag:s14], $0x1000  }
0x82: {  	[sflag:s14] =	ssyncset.done $0x0  }
0x83: {  	[sflag:s14] =	ssyncadd.s32 $0xFFFFF000  }
0x84: {  	_ =	swait.ge [sflag:s14], $0x1000  }
0x85: {  	[sflag:s14] =	ssyncset.done $0x0  }
0x86: {  	[sflag:s14] =	ssyncadd.s32 $0xFFFFF000  }
0x87: {  	_ =	swait.ge [sflag:s14], $0x1000  }
0x88: {  	[sflag:s14] =	ssyncset.done $0x0  }
0x89: {  	[sflag:s14] =	ssyncadd.s32 $0xFFFFF000  }
0x8a: {  	_ =	swait.ge [sflag:s14], $0x1000  }
0x8b: {  	s17 =	simm.s32 $0x0;
	[sflag:s14] =	ssyncset.done $0x0  }
0x8c: {  	s20 =	simm.s32 $0x0;
	s7 =	sand.u32 $0xF0, s17;
	[sflag:s14] =	ssyncadd.s32 $0xFFFFF000  }
0x8d: {  	s8 =	sand.u32 $0x1F, s20;
	v4 =	vmov s7;
	_ =	swait.ge [sflag:s14], $0x1000  }
0x8e: {  	v7 =	vadd.s32 s8, v0;
	v5 =	vshll.u32 v4, $0x5;
	[sflag:s14] =	ssyncset.done $0x0  }
0x8f: {  	v6 =	vand.u32 $0x18, v7;
	v4 =	vor.u32 s7, v0;
	v8 =	vor.u32 v2, v5;
	[sflag:s14] =	ssyncadd.s32 $0xFFFFF000  }
0x90: {  	v9 =	vand.u32 $0x7, v7;
	v10 =	vshll.u32 v4, $0x5;
	v8 =	vor.u32 v6, v8;
	_ =	swait.ge [sflag:s14], $0x1000  }
0x91: {  	v5 =	vor.u32 v1, v5;
	v10 =	vor.u32 v6, v10;
	v8 =	vor.u32 v9, v8;
	[sflag:s14] =	ssyncset.done $0x0  }
0x92: {  	s7 =	simm.s32 @!p0 $0x3;
	v11 =	vor.u32 v6, v5;
	v10 =	vor.u32 v9, v10;
	[sflag:s14] =	ssyncadd.s32 $0xFFFFF000  }
0x93: {  	v9 =	vor.u32 v9, v11;
	_ =	swait.ge @!p0 [sflag:s7], $0x2000  }
0x94: {  	s20 =	simm.s32 $0x1;
	[sflag:s7] =	ssyncset.done @!p0 $0x0  }
0x95: {  	s16 =	sand.u32 $0x1F, s20;
	[sflag:s7] =	ssyncadd.s32 @!p0 $0xFFFFE000  }
0x96: {  	s17 =	simm.s32 $0x0;
	v63 =	vshll.u32 v7, $0x1;
	v5 =	vadd.s32 s16, v0;
	v6 =	vld.idx.msk [tilespmem:v8+s22+$0x0], $0xffff  }
0x97: {  	s8 =	sand.u32 $0xF0, s17;
	s16 =	simm.s32 $0x0;
	v7 =	vand.u32 $0x7, v5;
	s7 =	simm.s32 $0x2;
	v8 =	vld.idx.msk [tilespmem:v10+s22+$0x0], $0xffff;
	v10 =	vand.u32 $0x3E, v63  }
.LBB2_5:
0x98: {  	p0 =	sne.s32 s7, $0x1FF;
	v11 =	vmov s8;
	v12 =	vand.u32 $0x18, v5;
	v9 =	vld.idx.msk [tilespmem:v9+s22+$0x0], $0xffff;
	v10 =	vadd.s32 s16, v10;
	s16 =	smov.u32 s20;
	s20 =	smov.u32 s7  }
0x99: {  	v13 =	vand.u32 $0x78, v4;
	v11 =	vshll.u32 v11, $0x5;
	v10 =	vshll.u32 v10, $0x7  }
0x9a: {  	v4 =	vor.u32 s8, v0;
	v14 =	vor.u32 v2, v11;
	v10 =	vor.u32 v13, v10  }
0x9b: {  	v13 =	vshll.u32 v4, $0x5;
	v14 =	vor.u32 v12, v14;
	v10 =	vor.u32 v3, v10  }
0x9c: {  	v13 =	vor.u32 v12, v13;
	v6 =	vadd.f32 v6, v8;
	v14 =	vor.u32 v7, v14  }
0x9d: {  	v11 =	vor.u32 v1, v11;
	v8 =	vor.u32 v7, v13  }
0x9e: {  	v11 =	vor.u32 v12, v11;
	v6 =	vadd.f32 v9, v6  }
.Ltmp1:
0x9f: {  	v9 =	vor.u32 v7, v11;
	(pc) =	sbr.rel @p0 .LBB2_5-.Ltmp1, $4  }
0xa0: {  	[tilespmem:v10+s15+$0x0] =	vst.idx.msk $0xffff, v6  }
0xa1: {  	s8 =	sand.u32 $0x1F, s7;
	v6 =	vld.idx.msk [tilespmem:v14+s22+$0x0], $0xffff  }
0xa2: {  	s17 =	sshrl.u32 s7, $0x1;
	v10 =	vshll.u32 v5, $0x1;
	v5 =	vadd.s32 s8, v0;
	v8 =	vld.idx.msk [tilespmem:v8+s22+$0x0], $0xffff  }
0xa3: {  	s7 =	sadd.s32 $0x1, s7;
	s16 =	sshrl.u32 s16, $0x8;
	s8 =	sand.u32 $0xF0, s17;
	v7 =	vand.u32 $0x7, v5;
	v10 =	vand.u32 $0x3E, v10  }
0xa4: {  	_ =	sdelay $0x2  }
0xa5: {  	v11 =	vmov s8;
	v12 =	vand.u32 $0x18, v5;
	v10 =	vadd.s32 s16, v10  }
0xa6: {  	v9 =	vld.idx.msk [tilespmem:v9+s22+$0x0], $0xffff;
	v4 =	vand.u32 $0x78, v4;
	v11 =	vshll.u32 v11, $0x5;
	v10 =	vshll.u32 v10, $0x7  }
0xa7: {  	v13 =	vor.u32 s8, v0;
	v14 =	vor.u32 v2, v11;
	v4 =	vor.u32 v4, v10  }
0xa8: {  	v59 =	vshll.u32 v13, $0x5;
	v14 =	vor.u32 v12, v14;
	v4 =	vor.u32 v3, v4  }
0xa9: {  	v10 =	vor.u32 v12, v59;
	v6 =	vadd.f32 v6, v8;
	v14 =	vor.u32 v7, v14  }
0xaa: {  	v61 =	vor.u32 v1, v11;
	v60 =	vor.u32 v7, v10  }
0xab: {  	v10 =	vor.u32 v12, v61;
	v6 =	vadd.f32 v9, v6  }
0xac: {  	v62 =	vor.u32 v7, v10  }
0xad: {  	[tilespmem:v4+s15+$0x0] =	vst.idx.msk $0xffff, v6  }
0xae: {  	v5 =	vshll.u32 v5, $0x1;
	v4 =	vld.idx.msk [tilespmem:v14+s22+$0x0], $0xffff  }
0xaf: {  	s7 =	sshrl.u32 s20, $0x8;
	v5 =	vand.u32 $0x3E, v5;
	v6 =	vld.idx.msk [tilespmem:v60+s22+$0x0], $0xffff  }
0xb0: {  	v5 =	vadd.s32 s7, v5  }
0xb1: {  	v63 =	vand.u32 $0x78, v13;
	v5 =	vshll.u32 v5, $0x7;
	v7 =	vld.idx.msk [tilespmem:v62+s22+$0x0], $0xffff  }
0xb2: {  	v5 =	vor.u32 v63, v5  }
0xb3: {  	s18 =	sadd.s32 $0x1, s18;
	v5 =	vor.u32 v3, v5  }
0xb4: {  	p0 =	sne.s32 s18, $0x10;
	v4 =	vadd.f32 v4, v6  }
.Ltmp2:
0xb5: {  	_ = 	snop;
	(pc) =	sbr.rel @p0 .LBB2_2-.Ltmp2, $4  }
0xb6: {  	s20 =	sshll.u32 s19, $0xA;
	v4 =	vadd.f32 v7, v4  }
0xb7: {  	s7 =	sand.u32 $0x1FFFFC00, s20  }
0xb8: {  	s7 =	sadd.s32 s2, s7;
	[tilespmem:v5+s15+$0x0] =	vst.idx.msk $0xffff, v4  }
0xb9: {  	[hbm4b:s7+s3] =	stream.linear.scatter [tilespmem:s15], [sflag:$0x3], $0x2000, $0x38;
	[tilespmem:$0x10600] =	vst v63  }
0xba: {  	s8 =	simm.s32 $0x3  }
0xbb: {  	_ =	swait.ge [sflag:s8], $0x2000  }
0xbc: {  	[sflag:s8] =	ssyncset.done $0x0  }
0xbd: {  	[sflag:s8] =	ssyncadd.s32 $0xFFFFE000  }
0xbe: {  	_ =	swait.ge [sflag:s8], $0x2000  }
0xbf: {  	s16 =	rddreg [dreg:$0x5]  }
0xc0: {  	s7 =	rddreg [dreg:$0x4];
	s16 =	sadd.s32 $0x1, s16  }
0xc1: {  	p0 =	sne.s32 s16, s7  }
.Ltmp3:
0xc2: {  	_ = 	snop;
	(pc) =	sbr.rel @p0 .LBB2_1-.Ltmp3, $3  }
0xc3: {  	_ =	sdelay $0x1  }
0xc4: {  	[sflag:s8] =	ssyncset.done $0x0  }
0xc5: {  	[sflag:s8] =	ssyncadd.s32 $0xFFFFE000  }
0xc6: {  	_ =	sfence.sel $0x180000  }
0xc7: {  	[bflag:$0x0] =	sbarrier.arrive $0xFFFF  }
0xc8: {  	_ =	strace $0x90000047  }
0xc9: {  	s0 =	stileid.u32;
	[bflag:$0x2] =	sbarrier.arrive $0xFFFF  }
0xca: {  	p0 =	sne.s32 s0, $0x0;
	s0 =	rddreg [dreg:$0x2]  }
0xcb: {  	s0 =	sadd.s32 @!p0 $0x100000, s0  }
0xcc: {  	[sflag:s0] =	ssyncadd.tile.s32 @!p0 $0x1;
	_ =	shalt  }
.Lfunc_end2:
_tile_overlayer_lowered:
.L_overlay_start_2:
0xcd: {  	(tag) =	ssettag $0x2  }
0xce: {  	s0 =	rddreg [dreg:$0x0];
	s2 =	stileid.u32  }
0xcf: {  	s1 =	rddreg [dreg:$0x1];
	p0 =	sne.s32 s2, $0x0  }
0xd0: {  	s3 =	rddreg [dreg:$0x2];
	[bflag:$0x3] =	sbarrier.arrive $0xFFFF;
	s2 =	simm.s32 @!p0 $0x1C04  }
0xd1: {  	[timem:s3], [sflag:s2] =	dma.local @!p0 [hbm:s0], s1  }
0xd2: {  	s0 =	simm.s32 @!p0 $0x4  }
0xd3: {  	_ =	swait.ge @!p0 [sflag:s0], s1  }
0xd4: {  	s1 =	ssub.s32 @!p0 $0x0, s1;
	[sflag:s0] =	ssyncset.done @!p0 $0x0  }
0xd5: {  	[sflag:s0] =	ssyncadd.s32 @!p0 s1  }
0xd6: {  	[bflag:$0x3] =	sbarrier.arrive $0xFFFF  }
0xd7: {  	_ =	shalt  }

</sc_bundles>
